<compile_context>
chip_gen: v7x
topology: tpu7x:2x2x1
jax: 0.10.2.dev20260603
libtpu: 0.0.44.dev20260713+nightly
codegen_flags: <defaults>
</compile_context>

<pallas_src>
import functools

import jax
import jax.numpy as jnp
from jax import lax
from jax.experimental import pallas as pl
from jax.experimental.pallas import tpu as pltpu, tpu_sc as plsc

HIDDEN = 128
NC, NS, LANES = 2, 16, 16
NW = NC * NS
CH = 128


def _comb_body(pos_ref, turn_ref, out_ref):
    p = pos_ref[...]
    t = turn_ref[...]
    out_ref[...] = p[:, None, :] + t[None, :, :]


def _body(idx_all, tok_tab, comb_tab, out,
          idx3, cidx, buf_t, buf_c, buf_o,
          gsem0, gsem1, wsem0, wsem1, isem0, isem1,
          *, rows_per_worker, n_turn):
    wid = lax.axis_index("s") * NC + lax.axis_index("c")
    wbase = wid * rows_per_worker
    n_chunks = rows_per_worker // CH
    n_pairs = n_chunks // 2
    gsem = (gsem0, gsem1)
    wsem = (wsem0, wsem1)
    isem = (isem0, isem1)

    def idx_fetch(g, b):
        slab = (wid * n_chunks + g) * (3 * CH)
        pltpu.async_copy(idx_all.at[pl.ds(slab, 3 * CH)], idx3.at[b], isem[b])

    def wait_idx(b):
        pltpu.make_async_copy(idx_all.at[pl.ds(0, 3 * CH)], idx3.at[b],
                              isem[b]).wait()

    def issue(g, b):
        for i in range(CH // LANES):
            s = pl.ds(i * LANES, LANES)
            cidx[b, s] = (idx3[b, pl.ds(2 * CH + i * LANES, LANES)] * n_turn
                          + idx3[b, pl.ds(CH + i * LANES, LANES)])
        pltpu.async_copy(tok_tab.at[idx3.at[b, pl.ds(0, CH)]], buf_t.at[b],
                         gsem[b])
        pltpu.async_copy(comb_tab.at[cidx.at[b]], buf_c.at[b], gsem[b])

    def wait_gathers(b):
        pltpu.make_async_copy(tok_tab.at[pl.ds(0, CH)], buf_t.at[b],
                              gsem[b]).wait()
        pltpu.make_async_copy(tok_tab.at[pl.ds(0, CH)], buf_c.at[b],
                              gsem[b]).wait()

    def add_and_store(g, b):
        @plsc.parallel_loop(0, CH, step=1)
        def row_body(r):
            for c in range(HIDDEN // LANES):
                s = pl.ds(c * LANES, LANES)
                buf_o[b, r, s] = buf_t[b, r, s] + buf_c[b, r, s]

        pltpu.async_copy(buf_o.at[b], out.at[pl.ds(wbase + g * CH, CH)],
                         wsem[b])

    def wait_wb(b):
        pltpu.make_async_copy(buf_o.at[b], out.at[pl.ds(wbase, CH)],
                              wsem[b]).wait()

    idx_fetch(0, 0)
    idx_fetch(1, 1)
    wait_idx(0)
    issue(0, 0)

    def pair_body(p, _):
        g0 = 2 * p

        wait_idx(1)
        issue(g0 + 1, 1)
        wait_gathers(0)

        @pl.when(p < n_pairs - 1)
        def _():
            idx_fetch(g0 + 2, 0)

        @pl.when(p > 0)
        def _():
            wait_wb(0)

        add_and_store(g0, 0)

        @pl.when(p < n_pairs - 1)
        def _():
            wait_idx(0)
            issue(g0 + 2, 0)

        wait_gathers(1)

        @pl.when(p < n_pairs - 1)
        def _():
            idx_fetch(g0 + 3, 1)

        @pl.when(p > 0)
        def _():
            wait_wb(1)

        add_and_store(g0 + 1, 1)
        return 0

    lax.fori_loop(0, n_pairs, pair_body, 0, unroll=False)
    wait_wb(0)
    wait_wb(1)


def kernel(token_inp, turn_inp, pos_inp, tok_table, pos_table, turn_table):
    B, L = token_inp.shape
    N = B * L
    assert N % (NW * CH * 2) == 0
    rows_per_worker = N // NW
    P = pos_table.shape[0]
    T = turn_table.shape[0]

    comb = pl.pallas_call(
        _comb_body,
        out_shape=jax.ShapeDtypeStruct((P, T, HIDDEN), jnp.float32),
    )(pos_table, turn_table).reshape(P * T, HIDDEN)

    mesh = plsc.VectorSubcoreMesh(core_axis_name="c", subcore_axis_name="s",
                                  num_cores=NC, num_subcores=NS)
    k = pl.kernel(
        functools.partial(_body, rows_per_worker=rows_per_worker, n_turn=T),
        out_type=jax.ShapeDtypeStruct((N, HIDDEN), jnp.float32),
        mesh=mesh,
        scratch_types=[
            pltpu.VMEM((2, 3 * CH), jnp.int32),
            pltpu.VMEM((2, CH), jnp.int32),
            pltpu.VMEM((2, CH, HIDDEN), jnp.float32),
            pltpu.VMEM((2, CH, HIDDEN), jnp.float32),
            pltpu.VMEM((2, CH, HIDDEN), jnp.float32),
            pltpu.SemaphoreType.DMA,
            pltpu.SemaphoreType.DMA,
            pltpu.SemaphoreType.DMA,
            pltpu.SemaphoreType.DMA,
            pltpu.SemaphoreType.DMA,
            pltpu.SemaphoreType.DMA,
        ],
    )
    n_chunks = rows_per_worker // CH
    idx_all = jnp.stack([token_inp.reshape(N), turn_inp.reshape(N),
                         pos_inp.reshape(N)])
    idx_all = idx_all.reshape(3, NW, n_chunks, CH).transpose(1, 2, 0, 3)
    out = k(idx_all.reshape(3 * N), tok_table, comb)
    return out.reshape(B, L, HIDDEN)

# --- scband reference (transcript-rebuilt; emitter-appended) ---
"""Pipeline reference for scband-embedder-55817394979636 (READ-ONLY COPY).

The authoritative reference and input builder live on the scoring server;
editing this copy changes nothing except your own understanding.
"""

import jax, jax.numpy as jnp
import numpy as np

HIDDEN_DIM = 128
NUM_TOKEN = 100000
NUM_POS = 512
NUM_TURN = 16
PADDING_IDX = 0
B, L = 1024, 200

def setup_inputs(seed: int = 0) -> dict:
    key = jax.random.key(seed)
    k1, k2, k3, k4, k5, k6 = jax.random.split(key, 6)
    token_inp = jax.random.randint(k1, (B, L), 0, NUM_TOKEN).astype(jnp.int32)
    turn_inp = jax.random.randint(k2, (B, L), 0, NUM_TURN).astype(jnp.int32)
    pos_inp = jax.random.randint(k3, (B, L), 0, NUM_POS).astype(jnp.int32)
    scale = 1.0 / (HIDDEN_DIM ** 0.5)
    tok_table = jax.random.normal(k4, (NUM_TOKEN, HIDDEN_DIM), dtype=jnp.float32) * scale
    tok_table = tok_table.at[PADDING_IDX].set(0.0)
    pos_table = jax.random.normal(k5, (NUM_POS + 1, HIDDEN_DIM), dtype=jnp.float32)
    turn_table = jax.random.normal(k6, (NUM_TURN, HIDDEN_DIM), dtype=jnp.float32)
    return {"token_inp": token_inp, "turn_inp": turn_inp, "pos_inp": pos_inp,
            "tok_table": tok_table, "pos_table": pos_table, "turn_table": turn_table}

def reference(token_inp, turn_inp, pos_inp, tok_table, pos_table, turn_table):
    # token embedding gather
    token_embed = jnp.take(tok_table, token_inp, axis=0)
    # turn_inp is 2-D -> add turn embedding
    embed = token_embed + jnp.take(turn_table, turn_inp, axis=0)
    # pos_inp is not None -> add positional embedding; dropout is identity (eval mode)
    embed = embed + jnp.take(pos_table, pos_inp.astype(jnp.int32), axis=0)
    return embed

if __name__ == "__main__":
    import jax
    _d = setup_inputs()
    print(jax.jit(kernel)(*tuple(_d.values())))

</pallas_src>

<mosaic_0001>
#map = affine_map<(d0, d1) -> (0)>
#map1 = affine_map<(d0, d1) -> (0, 0)>
module attributes {stable_mosaic.version = 14 : i64} {
  func.func @_body(%arg0: i32, %arg1: i32, %arg2: memref<614400xi32, #tpu.memory_space<hbm>>, %arg3: memref<100000x128xf32, #tpu.memory_space<hbm>>, %arg4: memref<8208x128xf32, #tpu.memory_space<hbm>>, %arg5: memref<204800x128xf32, #tpu.memory_space<hbm>>, %arg6: memref<2x384xi32, #tpu.memory_space<vmem>>, %arg7: memref<2x128xi32, #tpu.memory_space<vmem>>, %arg8: memref<2x128x128xf32, #tpu.memory_space<vmem>>, %arg9: memref<2x128x128xf32, #tpu.memory_space<vmem>>, %arg10: memref<2x128x128xf32, #tpu.memory_space<vmem>>, %arg11: memref<!tpu.dma_semaphore, #tpu.memory_space<semaphore_mem>>, %arg12: memref<!tpu.dma_semaphore, #tpu.memory_space<semaphore_mem>>, %arg13: memref<!tpu.dma_semaphore, #tpu.memory_space<semaphore_mem>>, %arg14: memref<!tpu.dma_semaphore, #tpu.memory_space<semaphore_mem>>, %arg15: memref<!tpu.dma_semaphore, #tpu.memory_space<semaphore_mem>>, %arg16: memref<!tpu.dma_semaphore, #tpu.memory_space<semaphore_mem>>) attributes {dimension_semantics = [#tpu.dimension_semantics<core_parallel>, #tpu.dimension_semantics<subcore_parallel>], iteration_bounds = array<i64: 2, 16>, scalar_prefetch = 0 : i64, scratch_operands = 11 : i64, tpu.core_type = #tpu.core_type<sc_vector_subcore>, window_params = [{transform_indices = #map}, {transform_indices = #map1}, {transform_indices = #map1}, {transform_indices = #map1}]} {
    %mul3A = arith.constant 2 : i32
    %mul3A_0 = arith.muli %arg1, %mul3A : i32
    %add3A = arith.addi %mul3A_0, %arg0 : i32
    %mul3A_1 = arith.constant 6400 : i32
    %mul3A_2 = arith.muli %add3A, %mul3A_1 : i32
    %mul3A_3 = arith.constant 50 : i32
    %mul3A_4 = arith.muli %add3A, %mul3A_3 : i32
    %add3A_5 = arith.constant 0 : i32
    %add3A_6 = arith.addi %mul3A_4, %add3A_5 : i32
    %mul3A_7 = arith.constant 384 : i32
    %mul3A_8 = arith.muli %add3A_6, %mul3A_7 : i32
    %dma_start3A = arith.constant 0 : i32
    %dma_start3A_9 = arith.constant 0 : i32
    %dma_start3A_10 = tpu.memref_slice %arg6[%dma_start3A, %dma_start3A_9] : memref<2x384xi32, #tpu.memory_space<vmem>> -> memref<1x384xi32, #tpu.memory_space<vmem>>
    %dma_start3A_11 = tpu.memref_squeeze %dma_start3A_10 : memref<1x384xi32, #tpu.memory_space<vmem>> -> memref<384xi32, #tpu.memory_space<vmem>>
    %dma_start3A_12 = tpu.memref_slice %arg2[%mul3A_8] : memref<614400xi32, #tpu.memory_space<hbm>> -> memref<384xi32, #tpu.memory_space<hbm>>
    %dma_start3A_13 = arith.constant 0 : i32
    %dma_start3A_14 = tpu.memref_slice %arg6[%dma_start3A, %dma_start3A_13] : memref<2x384xi32, #tpu.memory_space<vmem>> -> memref<1x384xi32, #tpu.memory_space<vmem>>
    %dma_start3A_15 = tpu.memref_squeeze %dma_start3A_14 : memref<1x384xi32, #tpu.memory_space<vmem>> -> memref<384xi32, #tpu.memory_space<vmem>>
    %dma_start3A_16 = tpu.memref_slice %arg2[%mul3A_8] : memref<614400xi32, #tpu.memory_space<hbm>> -> memref<384xi32, #tpu.memory_space<hbm>>
    tpu.enqueue_dma source(%dma_start3A_16 : memref<384xi32, #tpu.memory_space<hbm>>) target(%dma_start3A_15 : memref<384xi32, #tpu.memory_space<vmem>>) target_semaphore(%arg15 : memref<!tpu.dma_semaphore, #tpu.memory_space<semaphore_mem>>)
    %mul3A_17 = arith.constant 50 : i32
    %mul3A_18 = arith.muli %add3A, %mul3A_17 : i32
    %add3A_19 = arith.constant 1 : i32
    %add3A_20 = arith.addi %mul3A_18, %add3A_19 : i32
    %mul3A_21 = arith.constant 384 : i32
    %mul3A_22 = arith.muli %add3A_20, %mul3A_21 : i32
    %dma_start3A_23 = arith.constant 1 : i32
    %dma_start3A_24 = arith.constant 0 : i32
    %dma_start3A_25 = tpu.memref_slice %arg6[%dma_start3A_23, %dma_start3A_24] : memref<2x384xi32, #tpu.memory_space<vmem>> -> memref<1x384xi32, #tpu.memory_space<vmem>>
    %dma_start3A_26 = tpu.memref_squeeze %dma_start3A_25 : memref<1x384xi32, #tpu.memory_space<vmem>> -> memref<384xi32, #tpu.memory_space<vmem>>
    %dma_start3A_27 = tpu.memref_slice %arg2[%mul3A_22] : memref<614400xi32, #tpu.memory_space<hbm>> -> memref<384xi32, #tpu.memory_space<hbm>>
    %dma_start3A_28 = arith.constant 0 : i32
    %dma_start3A_29 = tpu.memref_slice %arg6[%dma_start3A_23, %dma_start3A_28] : memref<2x384xi32, #tpu.memory_space<vmem>> -> memref<1x384xi32, #tpu.memory_space<vmem>>
    %dma_start3A_30 = tpu.memref_squeeze %dma_start3A_29 : memref<1x384xi32, #tpu.memory_space<vmem>> -> memref<384xi32, #tpu.memory_space<vmem>>
    %dma_start3A_31 = tpu.memref_slice %arg2[%mul3A_22] : memref<614400xi32, #tpu.memory_space<hbm>> -> memref<384xi32, #tpu.memory_space<hbm>>
    tpu.enqueue_dma source(%dma_start3A_31 : memref<384xi32, #tpu.memory_space<hbm>>) target(%dma_start3A_30 : memref<384xi32, #tpu.memory_space<vmem>>) target_semaphore(%arg16 : memref<!tpu.dma_semaphore, #tpu.memory_space<semaphore_mem>>)
    %dma_wait3A = arith.constant 0 : i32
    %dma_wait3A_32 = arith.constant 0 : i32
    %dma_wait3A_33 = tpu.memref_slice %arg6[%dma_wait3A, %dma_wait3A_32] : memref<2x384xi32, #tpu.memory_space<vmem>> -> memref<1x384xi32, #tpu.memory_space<vmem>>
    %dma_wait3A_34 = tpu.memref_squeeze %dma_wait3A_33 : memref<1x384xi32, #tpu.memory_space<vmem>> -> memref<384xi32, #tpu.memory_space<vmem>>
    %dma_wait3A_35 = arith.constant 0 : i32
    %dma_wait3A_36 = tpu.memref_slice %arg2[%dma_wait3A_35] : memref<614400xi32, #tpu.memory_space<hbm>> -> memref<384xi32, #tpu.memory_space<hbm>>
    %dma_wait3A_37 = arith.constant 0 : i32
    %dma_wait3A_38 = tpu.memref_slice %arg6[%dma_wait3A, %dma_wait3A_37] : memref<2x384xi32, #tpu.memory_space<vmem>> -> memref<1x384xi32, #tpu.memory_space<vmem>>
    %dma_wait3A_39 = tpu.memref_squeeze %dma_wait3A_38 : memref<1x384xi32, #tpu.memory_space<vmem>> -> memref<384xi32, #tpu.memory_space<vmem>>
    %dma_wait3A_40 = arith.constant 0 : i32
    %dma_wait3A_41 = tpu.memref_slice %arg2[%dma_wait3A_40] : memref<614400xi32, #tpu.memory_space<hbm>> -> memref<384xi32, #tpu.memory_space<hbm>>
    tpu.wait_dma2 semaphore(%arg15 : memref<!tpu.dma_semaphore, #tpu.memory_space<semaphore_mem>>) src(%dma_wait3A_41 : memref<384xi32, #tpu.memory_space<hbm>>) dst(%dma_wait3A_39 : memref<384xi32, #tpu.memory_space<vmem>>)
    %get3A = arith.constant 0 : i32
    %get3A_42 = arith.index_cast %get3A : i32 to index
    %get3A_43 = arith.constant 256 : index
    %get3A_44 = tpu.vector_load %arg6[%get3A_42, %get3A_43] {strides = array<i32>} : memref<2x384xi32, #tpu.memory_space<vmem>>, vector<1x16xi32>,
    %get3A_45 = vector.shape_cast %get3A_44 : vector<1x16xi32> to vector<16xi32>
    %mul3A_46 = arith.constant 16 : i32
    %mul3A_47 = vector.broadcast %mul3A_46 : i32 to vector<16xi32>
    %mul3A_48 = arith.muli %get3A_45, %mul3A_47 : vector<16xi32>
    %get3A_49 = arith.constant 0 : i32
    %get3A_50 = arith.index_cast %get3A_49 : i32 to index
    %get3A_51 = arith.constant 128 : index
    %get3A_52 = tpu.vector_load %arg6[%get3A_50, %get3A_51] {strides = array<i32>} : memref<2x384xi32, #tpu.memory_space<vmem>>, vector<1x16xi32>,
    %get3A_53 = vector.shape_cast %get3A_52 : vector<1x16xi32> to vector<16xi32>
    %add3A_54 = arith.addi %mul3A_48, %get3A_53 : vector<16xi32>
    %swap3A = arith.constant 0 : i32
    %swap3A_55 = arith.index_cast %swap3A : i32 to index
    %swap3A_56 = arith.constant 0 : index
    %swap3A_57 = tpu.vector_load %arg7[%swap3A_55, %swap3A_56] {strides = array<i32>} : memref<2x128xi32, #tpu.memory_space<vmem>>, vector<1x16xi32>,
    %swap3A_58 = vector.shape_cast %swap3A_57 : vector<1x16xi32> to vector<16xi32>
    %swap3A_59 = vector.shape_cast %add3A_54 : vector<16xi32> to vector<1x16xi32>
    tpu.vector_store %arg7[%swap3A_55, %swap3A_56], %swap3A_59 {strides = array<i32>} : memref<2x128xi32, #tpu.memory_space<vmem>>, vector<1x16xi32>,
    %get3A_60 = arith.constant 0 : i32
    %get3A_61 = arith.index_cast %get3A_60 : i32 to index
    %get3A_62 = arith.constant 272 : index
    %get3A_63 = tpu.vector_load %arg6[%get3A_61, %get3A_62] {strides = array<i32>} : memref<2x384xi32, #tpu.memory_space<vmem>>, vector<1x16xi32>,
    %get3A_64 = vector.shape_cast %get3A_63 : vector<1x16xi32> to vector<16xi32>
    %mul3A_65 = arith.constant 16 : i32
    %mul3A_66 = vector.broadcast %mul3A_65 : i32 to vector<16xi32>
    %mul3A_67 = arith.muli %get3A_64, %mul3A_66 : vector<16xi32>
    %get3A_68 = arith.constant 0 : i32
    %get3A_69 = arith.index_cast %get3A_68 : i32 to index
    %get3A_70 = arith.constant 144 : index
    %get3A_71 = tpu.vector_load %arg6[%get3A_69, %get3A_70] {strides = array<i32>} : memref<2x384xi32, #tpu.memory_space<vmem>>, vector<1x16xi32>,
    %get3A_72 = vector.shape_cast %get3A_71 : vector<1x16xi32> to vector<16xi32>
    %add3A_73 = arith.addi %mul3A_67, %get3A_72 : vector<16xi32>
    %swap3A_74 = arith.constant 0 : i32
    %swap3A_75 = arith.index_cast %swap3A_74 : i32 to index
    %swap3A_76 = arith.constant 16 : index
    %swap3A_77 = tpu.vector_load %arg7[%swap3A_75, %swap3A_76] {strides = array<i32>} : memref<2x128xi32, #tpu.memory_space<vmem>>, vector<1x16xi32>,
    %swap3A_78 = vector.shape_cast %swap3A_77 : vector<1x16xi32> to vector<16xi32>
    %swap3A_79 = vector.shape_cast %add3A_73 : vector<16xi32> to vector<1x16xi32>
    tpu.vector_store %arg7[%swap3A_75, %swap3A_76], %swap3A_79 {strides = array<i32>} : memref<2x128xi32, #tpu.memory_space<vmem>>, vector<1x16xi32>,
    %get3A_80 = arith.constant 0 : i32
    %get3A_81 = arith.index_cast %get3A_80 : i32 to index
    %get3A_82 = arith.constant 288 : index
    %get3A_83 = tpu.vector_load %arg6[%get3A_81, %get3A_82] {strides = array<i32>} : memref<2x384xi32, #tpu.memory_space<vmem>>, vector<1x16xi32>,
    %get3A_84 = vector.shape_cast %get3A_83 : vector<1x16xi32> to vector<16xi32>
    %mul3A_85 = arith.constant 16 : i32
    %mul3A_86 = vector.broadcast %mul3A_85 : i32 to vector<16xi32>
    %mul3A_87 = arith.muli %get3A_84, %mul3A_86 : vector<16xi32>
    %get3A_88 = arith.constant 0 : i32
    %get3A_89 = arith.index_cast %get3A_88 : i32 to index
    %get3A_90 = arith.constant 160 : index
    %get3A_91 = tpu.vector_load %arg6[%get3A_89, %get3A_90] {strides = array<i32>} : memref<2x384xi32, #tpu.memory_space<vmem>>, vector<1x16xi32>,
    %get3A_92 = vector.shape_cast %get3A_91 : vector<1x16xi32> to vector<16xi32>
    %add3A_93 = arith.addi %mul3A_87, %get3A_92 : vector<16xi32>
    %swap3A_94 = arith.constant 0 : i32
    %swap3A_95 = arith.index_cast %swap3A_94 : i32 to index
    %swap3A_96 = arith.constant 32 : index
    %swap3A_97 = tpu.vector_load %arg7[%swap3A_95, %swap3A_96] {strides = array<i32>} : memref<2x128xi32, #tpu.memory_space<vmem>>, vector<1x16xi32>,
    %swap3A_98 = vector.shape_cast %swap3A_97 : vector<1x16xi32> to vector<16xi32>
    %swap3A_99 = vector.shape_cast %add3A_93 : vector<16xi32> to vector<1x16xi32>
    tpu.vector_store %arg7[%swap3A_95, %swap3A_96], %swap3A_99 {strides = array<i32>} : memref<2x128xi32, #tpu.memory_space<vmem>>, vector<1x16xi32>,
    %get3A_100 = arith.constant 0 : i32
    %get3A_101 = arith.index_cast %get3A_100 : i32 to index
    %get3A_102 = arith.constant 304 : index
    %get3A_103 = tpu.vector_load %arg6[%get3A_101, %get3A_102] {strides = array<i32>} : memref<2x384xi32, #tpu.memory_space<vmem>>, vector<1x16xi32>,
    %get3A_104 = vector.shape_cast %get3A_103 : vector<1x16xi32> to vector<16xi32>
    %mul3A_105 = arith.constant 16 : i32
    %mul3A_106 = vector.broadcast %mul3A_105 : i32 to vector<16xi32>
    %mul3A_107 = arith.muli %get3A_104, %mul3A_106 : vector<16xi32>
    %get3A_108 = arith.constant 0 : i32
    %get3A_109 = arith.index_cast %get3A_108 : i32 to index
    %get3A_110 = arith.constant 176 : index
    %get3A_111 = tpu.vector_load %arg6[%get3A_109, %get3A_110] {strides = array<i32>} : memref<2x384xi32, #tpu.memory_space<vmem>>, vector<1x16xi32>,
    %get3A_112 = vector.shape_cast %get3A_111 : vector<1x16xi32> to vector<16xi32>
    %add3A_113 = arith.addi %mul3A_107, %get3A_112 : vector<16xi32>
    %swap3A_114 = arith.constant 0 : i32
    %swap3A_115 = arith.index_cast %swap3A_114 : i32 to index
    %swap3A_116 = arith.constant 48 : index
    %swap3A_117 = tpu.vector_load %arg7[%swap3A_115, %swap3A_116] {strides = array<i32>} : memref<2x128xi32, #tpu.memory_space<vmem>>, vector<1x16xi32>,
    %swap3A_118 = vector.shape_cast %swap3A_117 : vector<1x16xi32> to vector<16xi32>
    %swap3A_119 = vector.shape_cast %add3A_113 : vector<16xi32> to vector<1x16xi32>
    tpu.vector_store %arg7[%swap3A_115, %swap3A_116], %swap3A_119 {strides = array<i32>} : memref<2x128xi32, #tpu.memory_space<vmem>>, vector<1x16xi32>,
    %get3A_120 = arith.constant 0 : i32
    %get3A_121 = arith.index_cast %get3A_120 : i32 to index
    %get3A_122 = arith.constant 320 : index
    %get3A_123 = tpu.vector_load %arg6[%get3A_121, %get3A_122] {strides = array<i32>} : memref<2x384xi32, #tpu.memory_space<vmem>>, vector<1x16xi32>,
    %get3A_124 = vector.shape_cast %get3A_123 : vector<1x16xi32> to vector<16xi32>
    %mul3A_125 = arith.constant 16 : i32
    %mul3A_126 = vector.broadcast %mul3A_125 : i32 to vector<16xi32>
    %mul3A_127 = arith.muli %get3A_124, %mul3A_126 : vector<16xi32>
    %get3A_128 = arith.constant 0 : i32
    %get3A_129 = arith.index_cast %get3A_128 : i32 to index
    %get3A_130 = arith.constant 192 : index
    %get3A_131 = tpu.vector_load %arg6[%get3A_129, %get3A_130] {strides = array<i32>} : memref<2x384xi32, #tpu.memory_space<vmem>>, vector<1x16xi32>,
    %get3A_132 = vector.shape_cast %get3A_131 : vector<1x16xi32> to vector<16xi32>
    %add3A_133 = arith.addi %mul3A_127, %get3A_132 : vector<16xi32>
    %swap3A_134 = arith.constant 0 : i32
    %swap3A_135 = arith.index_cast %swap3A_134 : i32 to index
    %swap3A_136 = arith.constant 64 : index
    %swap3A_137 = tpu.vector_load %arg7[%swap3A_135, %swap3A_136] {strides = array<i32>} : memref<2x128xi32, #tpu.memory_space<vmem>>, vector<1x16xi32>,
    %swap3A_138 = vector.shape_cast %swap3A_137 : vector<1x16xi32> to vector<16xi32>
    %swap3A_139 = vector.shape_cast %add3A_133 : vector<16xi32> to vector<1x16xi32>
    tpu.vector_store %arg7[%swap3A_135, %swap3A_136], %swap3A_139 {strides = array<i32>} : memref<2x128xi32, #tpu.memory_space<vmem>>, vector<1x16xi32>,
    %get3A_140 = arith.constant 0 : i32
    %get3A_141 = arith.index_cast %get3A_140 : i32 to index
    %get3A_142 = arith.constant 336 : index
    %get3A_143 = tpu.vector_load %arg6[%get3A_141, %get3A_142] {strides = array<i32>} : memref<2x384xi32, #tpu.memory_space<vmem>>, vector<1x16xi32>,
    %get3A_144 = vector.shape_cast %get3A_143 : vector<1x16xi32> to vector<16xi32>
    %mul3A_145 = arith.constant 16 : i32
    %mul3A_146 = vector.broadcast %mul3A_145 : i32 to vector<16xi32>
    %mul3A_147 = arith.muli %get3A_144, %mul3A_146 : vector<16xi32>
    %get3A_148 = arith.constant 0 : i32
    %get3A_149 = arith.index_cast %get3A_148 : i32 to index
    %get3A_150 = arith.constant 208 : index
    %get3A_151 = tpu.vector_load %arg6[%get3A_149, %get3A_150] {strides = array<i32>} : memref<2x384xi32, #tpu.memory_space<vmem>>, vector<1x16xi32>,
    %get3A_152 = vector.shape_cast %get3A_151 : vector<1x16xi32> to vector<16xi32>
    %add3A_153 = arith.addi %mul3A_147, %get3A_152 : vector<16xi32>
    %swap3A_154 = arith.constant 0 : i32
    %swap3A_155 = arith.index_cast %swap3A_154 : i32 to index
    %swap3A_156 = arith.constant 80 : index
    %swap3A_157 = tpu.vector_load %arg7[%swap3A_155, %swap3A_156] {strides = array<i32>} : memref<2x128xi32, #tpu.memory_space<vmem>>, vector<1x16xi32>,
    %swap3A_158 = vector.shape_cast %swap3A_157 : vector<1x16xi32> to vector<16xi32>
    %swap3A_159 = vector.shape_cast %add3A_153 : vector<16xi32> to vector<1x16xi32>
    tpu.vector_store %arg7[%swap3A_155, %swap3A_156], %swap3A_159 {strides = array<i32>} : memref<2x128xi32, #tpu.memory_space<vmem>>, vector<1x16xi32>,
    %get3A_160 = arith.constant 0 : i32
    %get3A_161 = arith.index_cast %get3A_160 : i32 to index
    %get3A_162 = arith.constant 352 : index
    %get3A_163 = tpu.vector_load %arg6[%get3A_161, %get3A_162] {strides = array<i32>} : memref<2x384xi32, #tpu.memory_space<vmem>>, vector<1x16xi32>,
    %get3A_164 = vector.shape_cast %get3A_163 : vector<1x16xi32> to vector<16xi32>
    %mul3A_165 = arith.constant 16 : i32
    %mul3A_166 = vector.broadcast %mul3A_165 : i32 to vector<16xi32>
    %mul3A_167 = arith.muli %get3A_164, %mul3A_166 : vector<16xi32>
    %get3A_168 = arith.constant 0 : i32
    %get3A_169 = arith.index_cast %get3A_168 : i32 to index
    %get3A_170 = arith.constant 224 : index
    %get3A_171 = tpu.vector_load %arg6[%get3A_169, %get3A_170] {strides = array<i32>} : memref<2x384xi32, #tpu.memory_space<vmem>>, vector<1x16xi32>,
    %get3A_172 = vector.shape_cast %get3A_171 : vector<1x16xi32> to vector<16xi32>
    %add3A_173 = arith.addi %mul3A_167, %get3A_172 : vector<16xi32>
    %swap3A_174 = arith.constant 0 : i32
    %swap3A_175 = arith.index_cast %swap3A_174 : i32 to index
    %swap3A_176 = arith.constant 96 : index
    %swap3A_177 = tpu.vector_load %arg7[%swap3A_175, %swap3A_176] {strides = array<i32>} : memref<2x128xi32, #tpu.memory_space<vmem>>, vector<1x16xi32>,
    %swap3A_178 = vector.shape_cast %swap3A_177 : vector<1x16xi32> to vector<16xi32>
    %swap3A_179 = vector.shape_cast %add3A_173 : vector<16xi32> to vector<1x16xi32>
    tpu.vector_store %arg7[%swap3A_175, %swap3A_176], %swap3A_179 {strides = array<i32>} : memref<2x128xi32, #tpu.memory_space<vmem>>, vector<1x16xi32>,
    %get3A_180 = arith.constant 0 : i32
    %get3A_181 = arith.index_cast %get3A_180 : i32 to index
    %get3A_182 = arith.constant 368 : index
    %get3A_183 = tpu.vector_load %arg6[%get3A_181, %get3A_182] {strides = array<i32>} : memref<2x384xi32, #tpu.memory_space<vmem>>, vector<1x16xi32>,
    %get3A_184 = vector.shape_cast %get3A_183 : vector<1x16xi32> to vector<16xi32>
    %mul3A_185 = arith.constant 16 : i32
    %mul3A_186 = vector.broadcast %mul3A_185 : i32 to vector<16xi32>
    %mul3A_187 = arith.muli %get3A_184, %mul3A_186 : vector<16xi32>
    %get3A_188 = arith.constant 0 : i32
    %get3A_189 = arith.index_cast %get3A_188 : i32 to index
    %get3A_190 = arith.constant 240 : index
    %get3A_191 = tpu.vector_load %arg6[%get3A_189, %get3A_190] {strides = array<i32>} : memref<2x384xi32, #tpu.memory_space<vmem>>, vector<1x16xi32>,
    %get3A_192 = vector.shape_cast %get3A_191 : vector<1x16xi32> to vector<16xi32>
    %add3A_193 = arith.addi %mul3A_187, %get3A_192 : vector<16xi32>
    %swap3A_194 = arith.constant 0 : i32
    %swap3A_195 = arith.index_cast %swap3A_194 : i32 to index
    %swap3A_196 = arith.constant 112 : index
    %swap3A_197 = tpu.vector_load %arg7[%swap3A_195, %swap3A_196] {strides = array<i32>} : memref<2x128xi32, #tpu.memory_space<vmem>>, vector<1x16xi32>,
    %swap3A_198 = vector.shape_cast %swap3A_197 : vector<1x16xi32> to vector<16xi32>
    %swap3A_199 = vector.shape_cast %add3A_193 : vector<16xi32> to vector<1x16xi32>
    tpu.vector_store %arg7[%swap3A_195, %swap3A_196], %swap3A_199 {strides = array<i32>} : memref<2x128xi32, #tpu.memory_space<vmem>>, vector<1x16xi32>,
    %dma_start3A_200 = arith.constant 0 : i32
    %dma_start3A_201 = arith.constant 0 : i32
    %dma_start3A_202 = arith.constant 0 : i32
    %dma_start3A_203 = arith.constant 0 : i32
    %dma_start3A_204 = tpu.memref_slice %arg8[%dma_start3A_201, %dma_start3A_202, %dma_start3A_203] : memref<2x128x128xf32, #tpu.memory_space<vmem>> -> memref<1x128x128xf32, #tpu.memory_space<vmem>>
    %dma_start3A_205 = tpu.memref_squeeze %dma_start3A_204 : memref<1x128x128xf32, #tpu.memory_space<vmem>> -> memref<128x128xf32, #tpu.memory_space<vmem>>
    %dma_start3A_206 = arith.constant 0 : i32
    %dma_start3A_207 = tpu.memref_slice %arg6[%dma_start3A_200, %dma_start3A_206] : memref<2x384xi32, #tpu.memory_space<vmem>> -> memref<1x128xi32, #tpu.memory_space<vmem>>
    %dma_start3A_208 = tpu.memref_squeeze %dma_start3A_207 : memref<1x128xi32, #tpu.memory_space<vmem>> -> memref<128xi32, #tpu.memory_space<vmem>>
    %dma_start3A_209 = arith.constant 0 : i32
    %dma_start3A_210 = arith.constant 0 : i32
    %dma_start3A_211 = tpu.memref_slice %arg3[%dma_start3A_209, %dma_start3A_210] : memref<100000x128xf32, #tpu.memory_space<hbm>> -> memref<100000x128xf32, #tpu.memory_space<hbm>>
    tpu.enqueue_indirect_dma source(%dma_start3A_211 : memref<100000x128xf32, #tpu.memory_space<hbm>>) target(%dma_start3A_205 : memref<128x128xf32, #tpu.memory_space<vmem>>) offsets(%dma_start3A_208 : memref<128xi32, #tpu.memory_space<vmem>>) semaphore(%arg11 : memref<!tpu.dma_semaphore, #tpu.memory_space<semaphore_mem>>)
    %dma_start3A_212 = arith.constant 0 : i32
    %dma_start3A_213 = arith.constant 0 : i32
    %dma_start3A_214 = arith.constant 0 : i32
    %dma_start3A_215 = arith.constant 0 : i32
    %dma_start3A_216 = tpu.memref_slice %arg9[%dma_start3A_213, %dma_start3A_214, %dma_start3A_215] : memref<2x128x128xf32, #tpu.memory_space<vmem>> -> memref<1x128x128xf32, #tpu.memory_space<vmem>>
    %dma_start3A_217 = tpu.memref_squeeze %dma_start3A_216 : memref<1x128x128xf32, #tpu.memory_space<vmem>> -> memref<128x128xf32, #tpu.memory_space<vmem>>
    %dma_start3A_218 = arith.constant 0 : i32
    %dma_start3A_219 = tpu.memref_slice %arg7[%dma_start3A_212, %dma_start3A_218] : memref<2x128xi32, #tpu.memory_space<vmem>> -> memref<1x128xi32, #tpu.memory_space<vmem>>
    %dma_start3A_220 = tpu.memref_squeeze %dma_start3A_219 : memref<1x128xi32, #tpu.memory_space<vmem>> -> memref<128xi32, #tpu.memory_space<vmem>>
    %dma_start3A_221 = arith.constant 0 : i32
    %dma_start3A_222 = arith.constant 0 : i32
    %dma_start3A_223 = tpu.memref_slice %arg4[%dma_start3A_221, %dma_start3A_222] : memref<8208x128xf32, #tpu.memory_space<hbm>> -> memref<8208x128xf32, #tpu.memory_space<hbm>>
    tpu.enqueue_indirect_dma source(%dma_start3A_223 : memref<8208x128xf32, #tpu.memory_space<hbm>>) target(%dma_start3A_217 : memref<128x128xf32, #tpu.memory_space<vmem>>) offsets(%dma_start3A_220 : memref<128xi32, #tpu.memory_space<vmem>>) semaphore(%arg11 : memref<!tpu.dma_semaphore, #tpu.memory_space<semaphore_mem>>)
    %scan3A = arith.constant 0 : i32
    %scan3A_224 = arith.constant 0 : i32
    %scan3A_225 = arith.constant 25 : i32
    %scan3A_226 = arith.addi %scan3A_224, %scan3A_225 : i32
    %scan3A_227 = arith.constant 1 : i32
    %scan3A_228 = scf.for %scan3A_256 = %scan3A_224 to %scan3A_226 step %scan3A_227 iter_args(%scan3A_257 = %scan3A) -> (i32)  : i32 {
      %mul3A_258 = arith.constant 2 : i32
      %mul3A_259 = arith.muli %mul3A_258, %scan3A_256 : i32
      %dma_wait3A_260 = arith.constant 1 : i32
      %dma_wait3A_261 = arith.constant 0 : i32
      %dma_wait3A_262 = tpu.memref_slice %arg6[%dma_wait3A_260, %dma_wait3A_261] : memref<2x384xi32, #tpu.memory_space<vmem>> -> memref<1x384xi32, #tpu.memory_space<vmem>>
      %dma_wait3A_263 = tpu.memref_squeeze %dma_wait3A_262 : memref<1x384xi32, #tpu.memory_space<vmem>> -> memref<384xi32, #tpu.memory_space<vmem>>
      %dma_wait3A_264 = arith.constant 0 : i32
      %dma_wait3A_265 = tpu.memref_slice %arg2[%dma_wait3A_264] : memref<614400xi32, #tpu.memory_space<hbm>> -> memref<384xi32, #tpu.memory_space<hbm>>
      %dma_wait3A_266 = arith.constant 0 : i32
      %dma_wait3A_267 = tpu.memref_slice %arg6[%dma_wait3A_260, %dma_wait3A_266] : memref<2x384xi32, #tpu.memory_space<vmem>> -> memref<1x384xi32, #tpu.memory_space<vmem>>
      %dma_wait3A_268 = tpu.memref_squeeze %dma_wait3A_267 : memref<1x384xi32, #tpu.memory_space<vmem>> -> memref<384xi32, #tpu.memory_space<vmem>>
      %dma_wait3A_269 = arith.constant 0 : i32
      %dma_wait3A_270 = tpu.memref_slice %arg2[%dma_wait3A_269] : memref<614400xi32, #tpu.memory_space<hbm>> -> memref<384xi32, #tpu.memory_space<hbm>>
      tpu.wait_dma2 semaphore(%arg16 : memref<!tpu.dma_semaphore, #tpu.memory_space<semaphore_mem>>) src(%dma_wait3A_270 : memref<384xi32, #tpu.memory_space<hbm>>) dst(%dma_wait3A_268 : memref<384xi32, #tpu.memory_space<vmem>>)
      %add3A_271 = arith.constant 1 : i32
      %add3A_272 = arith.addi %mul3A_259, %add3A_271 : i32
      %get3A_273 = arith.constant 1 : i32
      %get3A_274 = arith.index_cast %get3A_273 : i32 to index
      %get3A_275 = arith.constant 256 : index
      %get3A_276 = tpu.vector_load %arg6[%get3A_274, %get3A_275] {strides = array<i32>} : memref<2x384xi32, #tpu.memory_space<vmem>>, vector<1x16xi32>,
      %get3A_277 = vector.shape_cast %get3A_276 : vector<1x16xi32> to vector<16xi32>
      %mul3A_278 = arith.constant 16 : i32
      %mul3A_279 = vector.broadcast %mul3A_278 : i32 to vector<16xi32>
      %mul3A_280 = arith.muli %get3A_277, %mul3A_279 : vector<16xi32>
      %get3A_281 = arith.constant 1 : i32
      %get3A_282 = arith.index_cast %get3A_281 : i32 to index
      %get3A_283 = arith.constant 128 : index
      %get3A_284 = tpu.vector_load %arg6[%get3A_282, %get3A_283] {strides = array<i32>} : memref<2x384xi32, #tpu.memory_space<vmem>>, vector<1x16xi32>,
      %get3A_285 = vector.shape_cast %get3A_284 : vector<1x16xi32> to vector<16xi32>
      %add3A_286 = arith.addi %mul3A_280, %get3A_285 : vector<16xi32>
      %swap3A_287 = arith.constant 1 : i32
      %swap3A_288 = arith.index_cast %swap3A_287 : i32 to index
      %swap3A_289 = arith.constant 0 : index
      %swap3A_290 = tpu.vector_load %arg7[%swap3A_288, %swap3A_289] {strides = array<i32>} : memref<2x128xi32, #tpu.memory_space<vmem>>, vector<1x16xi32>,
      %swap3A_291 = vector.shape_cast %swap3A_290 : vector<1x16xi32> to vector<16xi32>
      %swap3A_292 = vector.shape_cast %add3A_286 : vector<16xi32> to vector<1x16xi32>
      tpu.vector_store %arg7[%swap3A_288, %swap3A_289], %swap3A_292 {strides = array<i32>} : memref<2x128xi32, #tpu.memory_space<vmem>>, vector<1x16xi32>,
      %get3A_293 = arith.constant 1 : i32
      %get3A_294 = arith.index_cast %get3A_293 : i32 to index
      %get3A_295 = arith.constant 272 : index
      %get3A_296 = tpu.vector_load %arg6[%get3A_294, %get3A_295] {strides = array<i32>} : memref<2x384xi32, #tpu.memory_space<vmem>>, vector<1x16xi32>,
      %get3A_297 = vector.shape_cast %get3A_296 : vector<1x16xi32> to vector<16xi32>
      %mul3A_298 = arith.constant 16 : i32
      %mul3A_299 = vector.broadcast %mul3A_298 : i32 to vector<16xi32>
      %mul3A_300 = arith.muli %get3A_297, %mul3A_299 : vector<16xi32>
      %get3A_301 = arith.constant 1 : i32
      %get3A_302 = arith.index_cast %get3A_301 : i32 to index
      %get3A_303 = arith.constant 144 : index
      %get3A_304 = tpu.vector_load %arg6[%get3A_302, %get3A_303] {strides = array<i32>} : memref<2x384xi32, #tpu.memory_space<vmem>>, vector<1x16xi32>,
      %get3A_305 = vector.shape_cast %get3A_304 : vector<1x16xi32> to vector<16xi32>
      %add3A_306 = arith.addi %mul3A_300, %get3A_305 : vector<16xi32>
      %swap3A_307 = arith.constant 1 : i32
      %swap3A_308 = arith.index_cast %swap3A_307 : i32 to index
      %swap3A_309 = arith.constant 16 : index
      %swap3A_310 = tpu.vector_load %arg7[%swap3A_308, %swap3A_309] {strides = array<i32>} : memref<2x128xi32, #tpu.memory_space<vmem>>, vector<1x16xi32>,
      %swap3A_311 = vector.shape_cast %swap3A_310 : vector<1x16xi32> to vector<16xi32>
      %swap3A_312 = vector.shape_cast %add3A_306 : vector<16xi32> to vector<1x16xi32>
      tpu.vector_store %arg7[%swap3A_308, %swap3A_309], %swap3A_312 {strides = array<i32>} : memref<2x128xi32, #tpu.memory_space<vmem>>, vector<1x16xi32>,
      %get3A_313 = arith.constant 1 : i32
      %get3A_314 = arith.index_cast %get3A_313 : i32 to index
      %get3A_315 = arith.constant 288 : index
      %get3A_316 = tpu.vector_load %arg6[%get3A_314, %get3A_315] {strides = array<i32>} : memref<2x384xi32, #tpu.memory_space<vmem>>, vector<1x16xi32>,
      %get3A_317 = vector.shape_cast %get3A_316 : vector<1x16xi32> to vector<16xi32>
      %mul3A_318 = arith.constant 16 : i32
      %mul3A_319 = vector.broadcast %mul3A_318 : i32 to vector<16xi32>
      %mul3A_320 = arith.muli %get3A_317, %mul3A_319 : vector<16xi32>
      %get3A_321 = arith.constant 1 : i32
      %get3A_322 = arith.index_cast %get3A_321 : i32 to index
      %get3A_323 = arith.constant 160 : index
      %get3A_324 = tpu.vector_load %arg6[%get3A_322, %get3A_323] {strides = array<i32>} : memref<2x384xi32, #tpu.memory_space<vmem>>, vector<1x16xi32>,
      %get3A_325 = vector.shape_cast %get3A_324 : vector<1x16xi32> to vector<16xi32>
      %add3A_326 = arith.addi %mul3A_320, %get3A_325 : vector<16xi32>
      %swap3A_327 = arith.constant 1 : i32
      %swap3A_328 = arith.index_cast %swap3A_327 : i32 to index
      %swap3A_329 = arith.constant 32 : index
      %swap3A_330 = tpu.vector_load %arg7[%swap3A_328, %swap3A_329] {strides = array<i32>} : memref<2x128xi32, #tpu.memory_space<vmem>>, vector<1x16xi32>,
      %swap3A_331 = vector.shape_cast %swap3A_330 : vector<1x16xi32> to vector<16xi32>
      %swap3A_332 = vector.shape_cast %add3A_326 : vector<16xi32> to vector<1x16xi32>
      tpu.vector_store %arg7[%swap3A_328, %swap3A_329], %swap3A_332 {strides = array<i32>} : memref<2x128xi32, #tpu.memory_space<vmem>>, vector<1x16xi32>,
      %get3A_333 = arith.constant 1 : i32
      %get3A_334 = arith.index_cast %get3A_333 : i32 to index
      %get3A_335 = arith.constant 304 : index
      %get3A_336 = tpu.vector_load %arg6[%get3A_334, %get3A_335] {strides = array<i32>} : memref<2x384xi32, #tpu.memory_space<vmem>>, vector<1x16xi32>,
      %get3A_337 = vector.shape_cast %get3A_336 : vector<1x16xi32> to vector<16xi32>
      %mul3A_338 = arith.constant 16 : i32
      %mul3A_339 = vector.broadcast %mul3A_338 : i32 to vector<16xi32>
      %mul3A_340 = arith.muli %get3A_337, %mul3A_339 : vector<16xi32>
      %get3A_341 = arith.constant 1 : i32
      %get3A_342 = arith.index_cast %get3A_341 : i32 to index
      %get3A_343 = arith.constant 176 : index
      %get3A_344 = tpu.vector_load %arg6[%get3A_342, %get3A_343] {strides = array<i32>} : memref<2x384xi32, #tpu.memory_space<vmem>>, vector<1x16xi32>,
      %get3A_345 = vector.shape_cast %get3A_344 : vector<1x16xi32> to vector<16xi32>
      %add3A_346 = arith.addi %mul3A_340, %get3A_345 : vector<16xi32>
      %swap3A_347 = arith.constant 1 : i32
      %swap3A_348 = arith.index_cast %swap3A_347 : i32 to index
      %swap3A_349 = arith.constant 48 : index
      %swap3A_350 = tpu.vector_load %arg7[%swap3A_348, %swap3A_349] {strides = array<i32>} : memref<2x128xi32, #tpu.memory_space<vmem>>, vector<1x16xi32>,
      %swap3A_351 = vector.shape_cast %swap3A_350 : vector<1x16xi32> to vector<16xi32>
      %swap3A_352 = vector.shape_cast %add3A_346 : vector<16xi32> to vector<1x16xi32>
      tpu.vector_store %arg7[%swap3A_348, %swap3A_349], %swap3A_352 {strides = array<i32>} : memref<2x128xi32, #tpu.memory_space<vmem>>, vector<1x16xi32>,
      %get3A_353 = arith.constant 1 : i32
      %get3A_354 = arith.index_cast %get3A_353 : i32 to index
      %get3A_355 = arith.constant 320 : index
      %get3A_356 = tpu.vector_load %arg6[%get3A_354, %get3A_355] {strides = array<i32>} : memref<2x384xi32, #tpu.memory_space<vmem>>, vector<1x16xi32>,
      %get3A_357 = vector.shape_cast %get3A_356 : vector<1x16xi32> to vector<16xi32>
      %mul3A_358 = arith.constant 16 : i32
      %mul3A_359 = vector.broadcast %mul3A_358 : i32 to vector<16xi32>
      %mul3A_360 = arith.muli %get3A_357, %mul3A_359 : vector<16xi32>
      %get3A_361 = arith.constant 1 : i32
      %get3A_362 = arith.index_cast %get3A_361 : i32 to index
      %get3A_363 = arith.constant 192 : index
      %get3A_364 = tpu.vector_load %arg6[%get3A_362, %get3A_363] {strides = array<i32>} : memref<2x384xi32, #tpu.memory_space<vmem>>, vector<1x16xi32>,
      %get3A_365 = vector.shape_cast %get3A_364 : vector<1x16xi32> to vector<16xi32>
      %add3A_366 = arith.addi %mul3A_360, %get3A_365 : vector<16xi32>
      %swap3A_367 = arith.constant 1 : i32
      %swap3A_368 = arith.index_cast %swap3A_367 : i32 to index
      %swap3A_369 = arith.constant 64 : index
      %swap3A_370 = tpu.vector_load %arg7[%swap3A_368, %swap3A_369] {strides = array<i32>} : memref<2x128xi32, #tpu.memory_space<vmem>>, vector<1x16xi32>,
      %swap3A_371 = vector.shape_cast %swap3A_370 : vector<1x16xi32> to vector<16xi32>
      %swap3A_372 = vector.shape_cast %add3A_366 : vector<16xi32> to vector<1x16xi32>
      tpu.vector_store %arg7[%swap3A_368, %swap3A_369], %swap3A_372 {strides = array<i32>} : memref<2x128xi32, #tpu.memory_space<vmem>>, vector<1x16xi32>,
      %get3A_373 = arith.constant 1 : i32
      %get3A_374 = arith.index_cast %get3A_373 : i32 to index
      %get3A_375 = arith.constant 336 : index
      %get3A_376 = tpu.vector_load %arg6[%get3A_374, %get3A_375] {strides = array<i32>} : memref<2x384xi32, #tpu.memory_space<vmem>>, vector<1x16xi32>,
      %get3A_377 = vector.shape_cast %get3A_376 : vector<1x16xi32> to vector<16xi32>
      %mul3A_378 = arith.constant 16 : i32
      %mul3A_379 = vector.broadcast %mul3A_378 : i32 to vector<16xi32>
      %mul3A_380 = arith.muli %get3A_377, %mul3A_379 : vector<16xi32>
      %get3A_381 = arith.constant 1 : i32
      %get3A_382 = arith.index_cast %get3A_381 : i32 to index
      %get3A_383 = arith.constant 208 : index
      %get3A_384 = tpu.vector_load %arg6[%get3A_382, %get3A_383] {strides = array<i32>} : memref<2x384xi32, #tpu.memory_space<vmem>>, vector<1x16xi32>,
      %get3A_385 = vector.shape_cast %get3A_384 : vector<1x16xi32> to vector<16xi32>
      %add3A_386 = arith.addi %mul3A_380, %get3A_385 : vector<16xi32>
      %swap3A_387 = arith.constant 1 : i32
      %swap3A_388 = arith.index_cast %swap3A_387 : i32 to index
      %swap3A_389 = arith.constant 80 : index
      %swap3A_390 = tpu.vector_load %arg7[%swap3A_388, %swap3A_389] {strides = array<i32>} : memref<2x128xi32, #tpu.memory_space<vmem>>, vector<1x16xi32>,
      %swap3A_391 = vector.shape_cast %swap3A_390 : vector<1x16xi32> to vector<16xi32>
      %swap3A_392 = vector.shape_cast %add3A_386 : vector<16xi32> to vector<1x16xi32>
      tpu.vector_store %arg7[%swap3A_388, %swap3A_389], %swap3A_392 {strides = array<i32>} : memref<2x128xi32, #tpu.memory_space<vmem>>, vector<1x16xi32>,
      %get3A_393 = arith.constant 1 : i32
      %get3A_394 = arith.index_cast %get3A_393 : i32 to index
      %get3A_395 = arith.constant 352 : index
      %get3A_396 = tpu.vector_load %arg6[%get3A_394, %get3A_395] {strides = array<i32>} : memref<2x384xi32, #tpu.memory_space<vmem>>, vector<1x16xi32>,
      %get3A_397 = vector.shape_cast %get3A_396 : vector<1x16xi32> to vector<16xi32>
      %mul3A_398 = arith.constant 16 : i32
      %mul3A_399 = vector.broadcast %mul3A_398 : i32 to vector<16xi32>
      %mul3A_400 = arith.muli %get3A_397, %mul3A_399 : vector<16xi32>
      %get3A_401 = arith.constant 1 : i32
      %get3A_402 = arith.index_cast %get3A_401 : i32 to index
      %get3A_403 = arith.constant 224 : index
      %get3A_404 = tpu.vector_load %arg6[%get3A_402, %get3A_403] {strides = array<i32>} : memref<2x384xi32, #tpu.memory_space<vmem>>, vector<1x16xi32>,
      %get3A_405 = vector.shape_cast %get3A_404 : vector<1x16xi32> to vector<16xi32>
      %add3A_406 = arith.addi %mul3A_400, %get3A_405 : vector<16xi32>
      %swap3A_407 = arith.constant 1 : i32
      %swap3A_408 = arith.index_cast %swap3A_407 : i32 to index
      %swap3A_409 = arith.constant 96 : index
      %swap3A_410 = tpu.vector_load %arg7[%swap3A_408, %swap3A_409] {strides = array<i32>} : memref<2x128xi32, #tpu.memory_space<vmem>>, vector<1x16xi32>,
      %swap3A_411 = vector.shape_cast %swap3A_410 : vector<1x16xi32> to vector<16xi32>
      %swap3A_412 = vector.shape_cast %add3A_406 : vector<16xi32> to vector<1x16xi32>
      tpu.vector_store %arg7[%swap3A_408, %swap3A_409], %swap3A_412 {strides = array<i32>} : memref<2x128xi32, #tpu.memory_space<vmem>>, vector<1x16xi32>,
      %get3A_413 = arith.constant 1 : i32
      %get3A_414 = arith.index_cast %get3A_413 : i32 to index
      %get3A_415 = arith.constant 368 : index
      %get3A_416 = tpu.vector_load %arg6[%get3A_414, %get3A_415] {strides = array<i32>} : memref<2x384xi32, #tpu.memory_space<vmem>>, vector<1x16xi32>,
      %get3A_417 = vector.shape_cast %get3A_416 : vector<1x16xi32> to vector<16xi32>
      %mul3A_418 = arith.constant 16 : i32
      %mul3A_419 = vector.broadcast %mul3A_418 : i32 to vector<16xi32>
      %mul3A_420 = arith.muli %get3A_417, %mul3A_419 : vector<16xi32>
      %get3A_421 = arith.constant 1 : i32
      %get3A_422 = arith.index_cast %get3A_421 : i32 to index
      %get3A_423 = arith.constant 240 : index
      %get3A_424 = tpu.vector_load %arg6[%get3A_422, %get3A_423] {strides = array<i32>} : memref<2x384xi32, #tpu.memory_space<vmem>>, vector<1x16xi32>,
      %get3A_425 = vector.shape_cast %get3A_424 : vector<1x16xi32> to vector<16xi32>
      %add3A_426 = arith.addi %mul3A_420, %get3A_425 : vector<16xi32>
      %swap3A_427 = arith.constant 1 : i32
      %swap3A_428 = arith.index_cast %swap3A_427 : i32 to index
      %swap3A_429 = arith.constant 112 : index
      %swap3A_430 = tpu.vector_load %arg7[%swap3A_428, %swap3A_429] {strides = array<i32>} : memref<2x128xi32, #tpu.memory_space<vmem>>, vector<1x16xi32>,
      %swap3A_431 = vector.shape_cast %swap3A_430 : vector<1x16xi32> to vector<16xi32>
      %swap3A_432 = vector.shape_cast %add3A_426 : vector<16xi32> to vector<1x16xi32>
      tpu.vector_store %arg7[%swap3A_428, %swap3A_429], %swap3A_432 {strides = array<i32>} : memref<2x128xi32, #tpu.memory_space<vmem>>, vector<1x16xi32>,
      %dma_start3A_433 = arith.constant 1 : i32
      %dma_start3A_434 = arith.constant 1 : i32
      %dma_start3A_435 = arith.constant 0 : i32
      %dma_start3A_436 = arith.constant 0 : i32
      %dma_start3A_437 = tpu.memref_slice %arg8[%dma_start3A_434, %dma_start3A_435, %dma_start3A_436] : memref<2x128x128xf32, #tpu.memory_space<vmem>> -> memref<1x128x128xf32, #tpu.memory_space<vmem>>
      %dma_start3A_438 = tpu.memref_squeeze %dma_start3A_437 : memref<1x128x128xf32, #tpu.memory_space<vmem>> -> memref<128x128xf32, #tpu.memory_space<vmem>>
      %dma_start3A_439 = arith.constant 0 : i32
      %dma_start3A_440 = tpu.memref_slice %arg6[%dma_start3A_433, %dma_start3A_439] : memref<2x384xi32, #tpu.memory_space<vmem>> -> memref<1x128xi32, #tpu.memory_space<vmem>>
      %dma_start3A_441 = tpu.memref_squeeze %dma_start3A_440 : memref<1x128xi32, #tpu.memory_space<vmem>> -> memref<128xi32, #tpu.memory_space<vmem>>
      %dma_start3A_442 = arith.constant 0 : i32
      %dma_start3A_443 = arith.constant 0 : i32
      %dma_start3A_444 = tpu.memref_slice %arg3[%dma_start3A_442, %dma_start3A_443] : memref<100000x128xf32, #tpu.memory_space<hbm>> -> memref<100000x128xf32, #tpu.memory_space<hbm>>
      tpu.enqueue_indirect_dma source(%dma_start3A_444 : memref<100000x128xf32, #tpu.memory_space<hbm>>) target(%dma_start3A_438 : memref<128x128xf32, #tpu.memory_space<vmem>>) offsets(%dma_start3A_441 : memref<128xi32, #tpu.memory_space<vmem>>) semaphore(%arg12 : memref<!tpu.dma_semaphore, #tpu.memory_space<semaphore_mem>>)
      %dma_start3A_445 = arith.constant 1 : i32
      %dma_start3A_446 = arith.constant 1 : i32
      %dma_start3A_447 = arith.constant 0 : i32
      %dma_start3A_448 = arith.constant 0 : i32
      %dma_start3A_449 = tpu.memref_slice %arg9[%dma_start3A_446, %dma_start3A_447, %dma_start3A_448] : memref<2x128x128xf32, #tpu.memory_space<vmem>> -> memref<1x128x128xf32, #tpu.memory_space<vmem>>
      %dma_start3A_450 = tpu.memref_squeeze %dma_start3A_449 : memref<1x128x128xf32, #tpu.memory_space<vmem>> -> memref<128x128xf32, #tpu.memory_space<vmem>>
      %dma_start3A_451 = arith.constant 0 : i32
      %dma_start3A_452 = tpu.memref_slice %arg7[%dma_start3A_445, %dma_start3A_451] : memref<2x128xi32, #tpu.memory_space<vmem>> -> memref<1x128xi32, #tpu.memory_space<vmem>>
      %dma_start3A_453 = tpu.memref_squeeze %dma_start3A_452 : memref<1x128xi32, #tpu.memory_space<vmem>> -> memref<128xi32, #tpu.memory_space<vmem>>
      %dma_start3A_454 = arith.constant 0 : i32
      %dma_start3A_455 = arith.constant 0 : i32
      %dma_start3A_456 = tpu.memref_slice %arg4[%dma_start3A_454, %dma_start3A_455] : memref<8208x128xf32, #tpu.memory_space<hbm>> -> memref<8208x128xf32, #tpu.memory_space<hbm>>
      tpu.enqueue_indirect_dma source(%dma_start3A_456 : memref<8208x128xf32, #tpu.memory_space<hbm>>) target(%dma_start3A_450 : memref<128x128xf32, #tpu.memory_space<vmem>>) offsets(%dma_start3A_453 : memref<128xi32, #tpu.memory_space<vmem>>) semaphore(%arg12 : memref<!tpu.dma_semaphore, #tpu.memory_space<semaphore_mem>>)
      %dma_wait3A_457 = arith.constant 0 : i32
      %dma_wait3A_458 = arith.constant 0 : i32
      %dma_wait3A_459 = arith.constant 0 : i32
      %dma_wait3A_460 = tpu.memref_slice %arg8[%dma_wait3A_457, %dma_wait3A_458, %dma_wait3A_459] : memref<2x128x128xf32, #tpu.memory_space<vmem>> -> memref<1x128x128xf32, #tpu.memory_space<vmem>>
      %dma_wait3A_461 = tpu.memref_squeeze %dma_wait3A_460 : memref<1x128x128xf32, #tpu.memory_space<vmem>> -> memref<128x128xf32, #tpu.memory_space<vmem>>
      %dma_wait3A_462 = arith.constant 0 : i32
      %dma_wait3A_463 = arith.constant 0 : i32
      %dma_wait3A_464 = tpu.memref_slice %arg3[%dma_wait3A_462, %dma_wait3A_463] : memref<100000x128xf32, #tpu.memory_space<hbm>> -> memref<128x128xf32, #tpu.memory_space<hbm>>
      %dma_wait3A_465 = arith.constant 0 : i32
      %dma_wait3A_466 = arith.constant 0 : i32
      %dma_wait3A_467 = tpu.memref_slice %arg8[%dma_wait3A_457, %dma_wait3A_465, %dma_wait3A_466] : memref<2x128x128xf32, #tpu.memory_space<vmem>> -> memref<1x128x128xf32, #tpu.memory_space<vmem>>
      %dma_wait3A_468 = tpu.memref_squeeze %dma_wait3A_467 : memref<1x128x128xf32, #tpu.memory_space<vmem>> -> memref<128x128xf32, #tpu.memory_space<vmem>>
      %dma_wait3A_469 = arith.constant 0 : i32
      %dma_wait3A_470 = arith.constant 0 : i32
      %dma_wait3A_471 = tpu.memref_slice %arg3[%dma_wait3A_469, %dma_wait3A_470] : memref<100000x128xf32, #tpu.memory_space<hbm>> -> memref<128x128xf32, #tpu.memory_space<hbm>>
      tpu.wait_dma2 semaphore(%arg11 : memref<!tpu.dma_semaphore, #tpu.memory_space<semaphore_mem>>) src(%dma_wait3A_471 : memref<128x128xf32, #tpu.memory_space<hbm>>) dst(%dma_wait3A_468 : memref<128x128xf32, #tpu.memory_space<vmem>>)
      %dma_wait3A_472 = arith.constant 0 : i32
      %dma_wait3A_473 = arith.constant 0 : i32
      %dma_wait3A_474 = arith.constant 0 : i32
      %dma_wait3A_475 = tpu.memref_slice %arg9[%dma_wait3A_472, %dma_wait3A_473, %dma_wait3A_474] : memref<2x128x128xf32, #tpu.memory_space<vmem>> -> memref<1x128x128xf32, #tpu.memory_space<vmem>>
      %dma_wait3A_476 = tpu.memref_squeeze %dma_wait3A_475 : memref<1x128x128xf32, #tpu.memory_space<vmem>> -> memref<128x128xf32, #tpu.memory_space<vmem>>
      %dma_wait3A_477 = arith.constant 0 : i32
      %dma_wait3A_478 = arith.constant 0 : i32
      %dma_wait3A_479 = tpu.memref_slice %arg3[%dma_wait3A_477, %dma_wait3A_478] : memref<100000x128xf32, #tpu.memory_space<hbm>> -> memref<128x128xf32, #tpu.memory_space<hbm>>
      %dma_wait3A_480 = arith.constant 0 : i32
      %dma_wait3A_481 = arith.constant 0 : i32
      %dma_wait3A_482 = tpu.memref_slice %arg9[%dma_wait3A_472, %dma_wait3A_480, %dma_wait3A_481] : memref<2x128x128xf32, #tpu.memory_space<vmem>> -> memref<1x128x128xf32, #tpu.memory_space<vmem>>
      %dma_wait3A_483 = tpu.memref_squeeze %dma_wait3A_482 : memref<1x128x128xf32, #tpu.memory_space<vmem>> -> memref<128x128xf32, #tpu.memory_space<vmem>>
      %dma_wait3A_484 = arith.constant 0 : i32
      %dma_wait3A_485 = arith.constant 0 : i32
      %dma_wait3A_486 = tpu.memref_slice %arg3[%dma_wait3A_484, %dma_wait3A_485] : memref<100000x128xf32, #tpu.memory_space<hbm>> -> memref<128x128xf32, #tpu.memory_space<hbm>>
      tpu.wait_dma2 semaphore(%arg11 : memref<!tpu.dma_semaphore, #tpu.memory_space<semaphore_mem>>) src(%dma_wait3A_486 : memref<128x128xf32, #tpu.memory_space<hbm>>) dst(%dma_wait3A_483 : memref<128x128xf32, #tpu.memory_space<vmem>>)
      %lt3A = arith.constant 24 : i32
      %lt3A_487 = arith.cmpi slt, %scan3A_256, %lt3A : i32
      %convert_element_type3A = arith.extui %lt3A_487 : i1 to i32
      %cond3A = arith.constant 0 : i32
      %cond3A_488 = arith.cmpi ne, %convert_element_type3A, %cond3A : i32
      scf.if %cond3A_488 {
        %add3A_578 = arith.constant 2 : i32
        %add3A_579 = arith.addi %mul3A_259, %add3A_578 : i32
        %mul3A_580 = arith.constant 50 : i32
        %mul3A_581 = arith.muli %add3A, %mul3A_580 : i32
        %add3A_582 = arith.addi %mul3A_581, %add3A_579 : i32
        %mul3A_583 = arith.constant 384 : i32
        %mul3A_584 = arith.muli %add3A_582, %mul3A_583 : i32
        %dma_start3A_585 = arith.constant 0 : i32
        %dma_start3A_586 = arith.constant 0 : i32
        %dma_start3A_587 = tpu.memref_slice %arg6[%dma_start3A_585, %dma_start3A_586] : memref<2x384xi32, #tpu.memory_space<vmem>> -> memref<1x384xi32, #tpu.memory_space<vmem>>
        %dma_start3A_588 = tpu.memref_squeeze %dma_start3A_587 : memref<1x384xi32, #tpu.memory_space<vmem>> -> memref<384xi32, #tpu.memory_space<vmem>>
        %dma_start3A_589 = tpu.memref_slice %arg2[%mul3A_584] : memref<614400xi32, #tpu.memory_space<hbm>> -> memref<384xi32, #tpu.memory_space<hbm>>
        %dma_start3A_590 = arith.constant 0 : i32
        %dma_start3A_591 = tpu.memref_slice %arg6[%dma_start3A_585, %dma_start3A_590] : memref<2x384xi32, #tpu.memory_space<vmem>> -> memref<1x384xi32, #tpu.memory_space<vmem>>
        %dma_start3A_592 = tpu.memref_squeeze %dma_start3A_591 : memref<1x384xi32, #tpu.memory_space<vmem>> -> memref<384xi32, #tpu.memory_space<vmem>>
        %dma_start3A_593 = tpu.memref_slice %arg2[%mul3A_584] : memref<614400xi32, #tpu.memory_space<hbm>> -> memref<384xi32, #tpu.memory_space<hbm>>
        tpu.enqueue_dma source(%dma_start3A_593 : memref<384xi32, #tpu.memory_space<hbm>>) target(%dma_start3A_592 : memref<384xi32, #tpu.memory_space<vmem>>) target_semaphore(%arg15 : memref<!tpu.dma_semaphore, #tpu.memory_space<semaphore_mem>>)
      } else {
      }
      %gt3A = arith.constant 0 : i32
      %gt3A_489 = arith.cmpi sgt, %scan3A_256, %gt3A : i32
      %convert_element_type3A_490 = arith.extui %gt3A_489 : i1 to i32
      %cond3A_491 = arith.constant 0 : i32
      %cond3A_492 = arith.cmpi ne, %convert_element_type3A_490, %cond3A_491 : i32
      scf.if %cond3A_492 {
        %dma_wait3A_578 = arith.constant 0 : i32
        %dma_wait3A_579 = arith.constant 0 : i32
        %dma_wait3A_580 = arith.constant 0 : i32
        %dma_wait3A_581 = tpu.memref_slice %arg10[%dma_wait3A_578, %dma_wait3A_579, %dma_wait3A_580] : memref<2x128x128xf32, #tpu.memory_space<vmem>> -> memref<1x128x128xf32, #tpu.memory_space<vmem>>
        %dma_wait3A_582 = tpu.memref_squeeze %dma_wait3A_581 : memref<1x128x128xf32, #tpu.memory_space<vmem>> -> memref<128x128xf32, #tpu.memory_space<vmem>>
        %dma_wait3A_583 = arith.constant 0 : i32
        %dma_wait3A_584 = tpu.memref_slice %arg5[%mul3A_2, %dma_wait3A_583] : memref<204800x128xf32, #tpu.memory_space<hbm>> -> memref<128x128xf32, #tpu.memory_space<hbm>>
        %dma_wait3A_585 = arith.constant 0 : i32
        %dma_wait3A_586 = tpu.memref_slice %arg5[%mul3A_2, %dma_wait3A_585] : memref<204800x128xf32, #tpu.memory_space<hbm>> -> memref<128x128xf32, #tpu.memory_space<hbm>>
        %dma_wait3A_587 = arith.constant 0 : i32
        %dma_wait3A_588 = arith.constant 0 : i32
        %dma_wait3A_589 = tpu.memref_slice %arg10[%dma_wait3A_578, %dma_wait3A_587, %dma_wait3A_588] : memref<2x128x128xf32, #tpu.memory_space<vmem>> -> memref<1x128x128xf32, #tpu.memory_space<vmem>>
        %dma_wait3A_590 = tpu.memref_squeeze %dma_wait3A_589 : memref<1x128x128xf32, #tpu.memory_space<vmem>> -> memref<128x128xf32, #tpu.memory_space<vmem>>
        tpu.wait_dma2 semaphore(%arg13 : memref<!tpu.dma_semaphore, #tpu.memory_space<semaphore_mem>>) src(%dma_wait3A_590 : memref<128x128xf32, #tpu.memory_space<vmem>>) dst(%dma_wait3A_586 : memref<128x128xf32, #tpu.memory_space<hbm>>)
      } else {
      }
      %parallel_loop3A = arith.constant 0 : i32
      %parallel_loop3A_493 = arith.constant 128 : i32
      %parallel_loop3A_494 = arith.constant 1 : i32
      scf.for %parallel_loop3A_578 = %parallel_loop3A to %parallel_loop3A_493 step %parallel_loop3A_494  : i32 {
        %parallel_loop3A_579 = arith.constant 0 : i32
        %parallel_loop3A_580 = arith.index_cast %parallel_loop3A_579 : i32 to index
        %parallel_loop3A_581 = arith.index_cast %parallel_loop3A_578 : i32 to index
        %parallel_loop3A_582 = arith.constant 0 : index
        %parallel_loop3A_583 = tpu.vector_load %arg8[%parallel_loop3A_580, %parallel_loop3A_581, %parallel_loop3A_582] {strides = array<i32>} : memref<2x128x128xf32, #tpu.memory_space<vmem>>, vector<1x1x16xf32>,
        %parallel_loop3A_584 = vector.shape_cast %parallel_loop3A_583 : vector<1x1x16xf32> to vector<16xf32>
        %parallel_loop3A_585 = arith.constant 0 : i32
        %parallel_loop3A_586 = arith.index_cast %parallel_loop3A_585 : i32 to index
        %parallel_loop3A_587 = arith.index_cast %parallel_loop3A_578 : i32 to index
        %parallel_loop3A_588 = arith.constant 0 : index
        %parallel_loop3A_589 = tpu.vector_load %arg9[%parallel_loop3A_586, %parallel_loop3A_587, %parallel_loop3A_588] {strides = array<i32>} : memref<2x128x128xf32, #tpu.memory_space<vmem>>, vector<1x1x16xf32>,
        %parallel_loop3A_590 = vector.shape_cast %parallel_loop3A_589 : vector<1x1x16xf32> to vector<16xf32>
        %parallel_loop3A_591 = arith.addf %parallel_loop3A_584, %parallel_loop3A_590 : vector<16xf32>
        %parallel_loop3A_592 = arith.constant 0 : i32
        %parallel_loop3A_593 = arith.index_cast %parallel_loop3A_592 : i32 to index
        %parallel_loop3A_594 = arith.index_cast %parallel_loop3A_578 : i32 to index
        %parallel_loop3A_595 = arith.constant 0 : index
        %parallel_loop3A_596 = tpu.vector_load %arg10[%parallel_loop3A_593, %parallel_loop3A_594, %parallel_loop3A_595] {strides = array<i32>} : memref<2x128x128xf32, #tpu.memory_space<vmem>>, vector<1x1x16xf32>,
        %parallel_loop3A_597 = vector.shape_cast %parallel_loop3A_596 : vector<1x1x16xf32> to vector<16xf32>
        %parallel_loop3A_598 = vector.shape_cast %parallel_loop3A_591 : vector<16xf32> to vector<1x1x16xf32>
        tpu.vector_store %arg10[%parallel_loop3A_593, %parallel_loop3A_594, %parallel_loop3A_595], %parallel_loop3A_598 {strides = array<i32>} : memref<2x128x128xf32, #tpu.memory_space<vmem>>, vector<1x1x16xf32>,
        %parallel_loop3A_599 = arith.constant 0 : i32
        %parallel_loop3A_600 = arith.index_cast %parallel_loop3A_599 : i32 to index
        %parallel_loop3A_601 = arith.index_cast %parallel_loop3A_578 : i32 to index
        %parallel_loop3A_602 = arith.constant 16 : index
        %parallel_loop3A_603 = tpu.vector_load %arg8[%parallel_loop3A_600, %parallel_loop3A_601, %parallel_loop3A_602] {strides = array<i32>} : memref<2x128x128xf32, #tpu.memory_space<vmem>>, vector<1x1x16xf32>,
        %parallel_loop3A_604 = vector.shape_cast %parallel_loop3A_603 : vector<1x1x16xf32> to vector<16xf32>
        %parallel_loop3A_605 = arith.constant 0 : i32
        %parallel_loop3A_606 = arith.index_cast %parallel_loop3A_605 : i32 to index
        %parallel_loop3A_607 = arith.index_cast %parallel_loop3A_578 : i32 to index
        %parallel_loop3A_608 = arith.constant 16 : index
        %parallel_loop3A_609 = tpu.vector_load %arg9[%parallel_loop3A_606, %parallel_loop3A_607, %parallel_loop3A_608] {strides = array<i32>} : memref<2x128x128xf32, #tpu.memory_space<vmem>>, vector<1x1x16xf32>,
        %parallel_loop3A_610 = vector.shape_cast %parallel_loop3A_609 : vector<1x1x16xf32> to vector<16xf32>
        %parallel_loop3A_611 = arith.addf %parallel_loop3A_604, %parallel_loop3A_610 : vector<16xf32>
        %parallel_loop3A_612 = arith.constant 0 : i32
        %parallel_loop3A_613 = arith.index_cast %parallel_loop3A_612 : i32 to index
        %parallel_loop3A_614 = arith.index_cast %parallel_loop3A_578 : i32 to index
        %parallel_loop3A_615 = arith.constant 16 : index
        %parallel_loop3A_616 = tpu.vector_load %arg10[%parallel_loop3A_613, %parallel_loop3A_614, %parallel_loop3A_615] {strides = array<i32>} : memref<2x128x128xf32, #tpu.memory_space<vmem>>, vector<1x1x16xf32>,
        %parallel_loop3A_617 = vector.shape_cast %parallel_loop3A_616 : vector<1x1x16xf32> to vector<16xf32>
        %parallel_loop3A_618 = vector.shape_cast %parallel_loop3A_611 : vector<16xf32> to vector<1x1x16xf32>
        tpu.vector_store %arg10[%parallel_loop3A_613, %parallel_loop3A_614, %parallel_loop3A_615], %parallel_loop3A_618 {strides = array<i32>} : memref<2x128x128xf32, #tpu.memory_space<vmem>>, vector<1x1x16xf32>,
        %parallel_loop3A_619 = arith.constant 0 : i32
        %parallel_loop3A_620 = arith.index_cast %parallel_loop3A_619 : i32 to index
        %parallel_loop3A_621 = arith.index_cast %parallel_loop3A_578 : i32 to index
        %parallel_loop3A_622 = arith.constant 32 : index
        %parallel_loop3A_623 = tpu.vector_load %arg8[%parallel_loop3A_620, %parallel_loop3A_621, %parallel_loop3A_622] {strides = array<i32>} : memref<2x128x128xf32, #tpu.memory_space<vmem>>, vector<1x1x16xf32>,
        %parallel_loop3A_624 = vector.shape_cast %parallel_loop3A_623 : vector<1x1x16xf32> to vector<16xf32>
        %parallel_loop3A_625 = arith.constant 0 : i32
        %parallel_loop3A_626 = arith.index_cast %parallel_loop3A_625 : i32 to index
        %parallel_loop3A_627 = arith.index_cast %parallel_loop3A_578 : i32 to index
        %parallel_loop3A_628 = arith.constant 32 : index
        %parallel_loop3A_629 = tpu.vector_load %arg9[%parallel_loop3A_626, %parallel_loop3A_627, %parallel_loop3A_628] {strides = array<i32>} : memref<2x128x128xf32, #tpu.memory_space<vmem>>, vector<1x1x16xf32>,
        %parallel_loop3A_630 = vector.shape_cast %parallel_loop3A_629 : vector<1x1x16xf32> to vector<16xf32>
        %parallel_loop3A_631 = arith.addf %parallel_loop3A_624, %parallel_loop3A_630 : vector<16xf32>
        %parallel_loop3A_632 = arith.constant 0 : i32
        %parallel_loop3A_633 = arith.index_cast %parallel_loop3A_632 : i32 to index
        %parallel_loop3A_634 = arith.index_cast %parallel_loop3A_578 : i32 to index
        %parallel_loop3A_635 = arith.constant 32 : index
        %parallel_loop3A_636 = tpu.vector_load %arg10[%parallel_loop3A_633, %parallel_loop3A_634, %parallel_loop3A_635] {strides = array<i32>} : memref<2x128x128xf32, #tpu.memory_space<vmem>>, vector<1x1x16xf32>,
        %parallel_loop3A_637 = vector.shape_cast %parallel_loop3A_636 : vector<1x1x16xf32> to vector<16xf32>
        %parallel_loop3A_638 = vector.shape_cast %parallel_loop3A_631 : vector<16xf32> to vector<1x1x16xf32>
        tpu.vector_store %arg10[%parallel_loop3A_633, %parallel_loop3A_634, %parallel_loop3A_635], %parallel_loop3A_638 {strides = array<i32>} : memref<2x128x128xf32, #tpu.memory_space<vmem>>, vector<1x1x16xf32>,
        %parallel_loop3A_639 = arith.constant 0 : i32
        %parallel_loop3A_640 = arith.index_cast %parallel_loop3A_639 : i32 to index
        %parallel_loop3A_641 = arith.index_cast %parallel_loop3A_578 : i32 to index
        %parallel_loop3A_642 = arith.constant 48 : index
        %parallel_loop3A_643 = tpu.vector_load %arg8[%parallel_loop3A_640, %parallel_loop3A_641, %parallel_loop3A_642] {strides = array<i32>} : memref<2x128x128xf32, #tpu.memory_space<vmem>>, vector<1x1x16xf32>,
        %parallel_loop3A_644 = vector.shape_cast %parallel_loop3A_643 : vector<1x1x16xf32> to vector<16xf32>
        %parallel_loop3A_645 = arith.constant 0 : i32
        %parallel_loop3A_646 = arith.index_cast %parallel_loop3A_645 : i32 to index
        %parallel_loop3A_647 = arith.index_cast %parallel_loop3A_578 : i32 to index
        %parallel_loop3A_648 = arith.constant 48 : index
        %parallel_loop3A_649 = tpu.vector_load %arg9[%parallel_loop3A_646, %parallel_loop3A_647, %parallel_loop3A_648] {strides = array<i32>} : memref<2x128x128xf32, #tpu.memory_space<vmem>>, vector<1x1x16xf32>,
        %parallel_loop3A_650 = vector.shape_cast %parallel_loop3A_649 : vector<1x1x16xf32> to vector<16xf32>
        %parallel_loop3A_651 = arith.addf %parallel_loop3A_644, %parallel_loop3A_650 : vector<16xf32>
        %parallel_loop3A_652 = arith.constant 0 : i32
        %parallel_loop3A_653 = arith.index_cast %parallel_loop3A_652 : i32 to index
        %parallel_loop3A_654 = arith.index_cast %parallel_loop3A_578 : i32 to index
        %parallel_loop3A_655 = arith.constant 48 : index
        %parallel_loop3A_656 = tpu.vector_load %arg10[%parallel_loop3A_653, %parallel_loop3A_654, %parallel_loop3A_655] {strides = array<i32>} : memref<2x128x128xf32, #tpu.memory_space<vmem>>, vector<1x1x16xf32>,
        %parallel_loop3A_657 = vector.shape_cast %parallel_loop3A_656 : vector<1x1x16xf32> to vector<16xf32>
        %parallel_loop3A_658 = vector.shape_cast %parallel_loop3A_651 : vector<16xf32> to vector<1x1x16xf32>
        tpu.vector_store %arg10[%parallel_loop3A_653, %parallel_loop3A_654, %parallel_loop3A_655], %parallel_loop3A_658 {strides = array<i32>} : memref<2x128x128xf32, #tpu.memory_space<vmem>>, vector<1x1x16xf32>,
        %parallel_loop3A_659 = arith.constant 0 : i32
        %parallel_loop3A_660 = arith.index_cast %parallel_loop3A_659 : i32 to index
        %parallel_loop3A_661 = arith.index_cast %parallel_loop3A_578 : i32 to index
        %parallel_loop3A_662 = arith.constant 64 : index
        %parallel_loop3A_663 = tpu.vector_load %arg8[%parallel_loop3A_660, %parallel_loop3A_661, %parallel_loop3A_662] {strides = array<i32>} : memref<2x128x128xf32, #tpu.memory_space<vmem>>, vector<1x1x16xf32>,
        %parallel_loop3A_664 = vector.shape_cast %parallel_loop3A_663 : vector<1x1x16xf32> to vector<16xf32>
        %parallel_loop3A_665 = arith.constant 0 : i32
        %parallel_loop3A_666 = arith.index_cast %parallel_loop3A_665 : i32 to index
        %parallel_loop3A_667 = arith.index_cast %parallel_loop3A_578 : i32 to index
        %parallel_loop3A_668 = arith.constant 64 : index
        %parallel_loop3A_669 = tpu.vector_load %arg9[%parallel_loop3A_666, %parallel_loop3A_667, %parallel_loop3A_668] {strides = array<i32>} : memref<2x128x128xf32, #tpu.memory_space<vmem>>, vector<1x1x16xf32>,
        %parallel_loop3A_670 = vector.shape_cast %parallel_loop3A_669 : vector<1x1x16xf32> to vector<16xf32>
        %parallel_loop3A_671 = arith.addf %parallel_loop3A_664, %parallel_loop3A_670 : vector<16xf32>
        %parallel_loop3A_672 = arith.constant 0 : i32
        %parallel_loop3A_673 = arith.index_cast %parallel_loop3A_672 : i32 to index
        %parallel_loop3A_674 = arith.index_cast %parallel_loop3A_578 : i32 to index
        %parallel_loop3A_675 = arith.constant 64 : index
        %parallel_loop3A_676 = tpu.vector_load %arg10[%parallel_loop3A_673, %parallel_loop3A_674, %parallel_loop3A_675] {strides = array<i32>} : memref<2x128x128xf32, #tpu.memory_space<vmem>>, vector<1x1x16xf32>,
        %parallel_loop3A_677 = vector.shape_cast %parallel_loop3A_676 : vector<1x1x16xf32> to vector<16xf32>
        %parallel_loop3A_678 = vector.shape_cast %parallel_loop3A_671 : vector<16xf32> to vector<1x1x16xf32>
        tpu.vector_store %arg10[%parallel_loop3A_673, %parallel_loop3A_674, %parallel_loop3A_675], %parallel_loop3A_678 {strides = array<i32>} : memref<2x128x128xf32, #tpu.memory_space<vmem>>, vector<1x1x16xf32>,
        %parallel_loop3A_679 = arith.constant 0 : i32
        %parallel_loop3A_680 = arith.index_cast %parallel_loop3A_679 : i32 to index
        %parallel_loop3A_681 = arith.index_cast %parallel_loop3A_578 : i32 to index
        %parallel_loop3A_682 = arith.constant 80 : index
        %parallel_loop3A_683 = tpu.vector_load %arg8[%parallel_loop3A_680, %parallel_loop3A_681, %parallel_loop3A_682] {strides = array<i32>} : memref<2x128x128xf32, #tpu.memory_space<vmem>>, vector<1x1x16xf32>,
        %parallel_loop3A_684 = vector.shape_cast %parallel_loop3A_683 : vector<1x1x16xf32> to vector<16xf32>
        %parallel_loop3A_685 = arith.constant 0 : i32
        %parallel_loop3A_686 = arith.index_cast %parallel_loop3A_685 : i32 to index
        %parallel_loop3A_687 = arith.index_cast %parallel_loop3A_578 : i32 to index
        %parallel_loop3A_688 = arith.constant 80 : index
        %parallel_loop3A_689 = tpu.vector_load %arg9[%parallel_loop3A_686, %parallel_loop3A_687, %parallel_loop3A_688] {strides = array<i32>} : memref<2x128x128xf32, #tpu.memory_space<vmem>>, vector<1x1x16xf32>,
        %parallel_loop3A_690 = vector.shape_cast %parallel_loop3A_689 : vector<1x1x16xf32> to vector<16xf32>
        %parallel_loop3A_691 = arith.addf %parallel_loop3A_684, %parallel_loop3A_690 : vector<16xf32>
        %parallel_loop3A_692 = arith.constant 0 : i32
        %parallel_loop3A_693 = arith.index_cast %parallel_loop3A_692 : i32 to index
        %parallel_loop3A_694 = arith.index_cast %parallel_loop3A_578 : i32 to index
        %parallel_loop3A_695 = arith.constant 80 : index
        %parallel_loop3A_696 = tpu.vector_load %arg10[%parallel_loop3A_693, %parallel_loop3A_694, %parallel_loop3A_695] {strides = array<i32>} : memref<2x128x128xf32, #tpu.memory_space<vmem>>, vector<1x1x16xf32>,
        %parallel_loop3A_697 = vector.shape_cast %parallel_loop3A_696 : vector<1x1x16xf32> to vector<16xf32>
        %parallel_loop3A_698 = vector.shape_cast %parallel_loop3A_691 : vector<16xf32> to vector<1x1x16xf32>
        tpu.vector_store %arg10[%parallel_loop3A_693, %parallel_loop3A_694, %parallel_loop3A_695], %parallel_loop3A_698 {strides = array<i32>} : memref<2x128x128xf32, #tpu.memory_space<vmem>>, vector<1x1x16xf32>,
        %parallel_loop3A_699 = arith.constant 0 : i32
        %parallel_loop3A_700 = arith.index_cast %parallel_loop3A_699 : i32 to index
        %parallel_loop3A_701 = arith.index_cast %parallel_loop3A_578 : i32 to index
        %parallel_loop3A_702 = arith.constant 96 : index
        %parallel_loop3A_703 = tpu.vector_load %arg8[%parallel_loop3A_700, %parallel_loop3A_701, %parallel_loop3A_702] {strides = array<i32>} : memref<2x128x128xf32, #tpu.memory_space<vmem>>, vector<1x1x16xf32>,
        %parallel_loop3A_704 = vector.shape_cast %parallel_loop3A_703 : vector<1x1x16xf32> to vector<16xf32>
        %parallel_loop3A_705 = arith.constant 0 : i32
        %parallel_loop3A_706 = arith.index_cast %parallel_loop3A_705 : i32 to index
        %parallel_loop3A_707 = arith.index_cast %parallel_loop3A_578 : i32 to index
        %parallel_loop3A_708 = arith.constant 96 : index
        %parallel_loop3A_709 = tpu.vector_load %arg9[%parallel_loop3A_706, %parallel_loop3A_707, %parallel_loop3A_708] {strides = array<i32>} : memref<2x128x128xf32, #tpu.memory_space<vmem>>, vector<1x1x16xf32>,
        %parallel_loop3A_710 = vector.shape_cast %parallel_loop3A_709 : vector<1x1x16xf32> to vector<16xf32>
        %parallel_loop3A_711 = arith.addf %parallel_loop3A_704, %parallel_loop3A_710 : vector<16xf32>
        %parallel_loop3A_712 = arith.constant 0 : i32
        %parallel_loop3A_713 = arith.index_cast %parallel_loop3A_712 : i32 to index
        %parallel_loop3A_714 = arith.index_cast %parallel_loop3A_578 : i32 to index
        %parallel_loop3A_715 = arith.constant 96 : index
        %parallel_loop3A_716 = tpu.vector_load %arg10[%parallel_loop3A_713, %parallel_loop3A_714, %parallel_loop3A_715] {strides = array<i32>} : memref<2x128x128xf32, #tpu.memory_space<vmem>>, vector<1x1x16xf32>,
        %parallel_loop3A_717 = vector.shape_cast %parallel_loop3A_716 : vector<1x1x16xf32> to vector<16xf32>
        %parallel_loop3A_718 = vector.shape_cast %parallel_loop3A_711 : vector<16xf32> to vector<1x1x16xf32>
        tpu.vector_store %arg10[%parallel_loop3A_713, %parallel_loop3A_714, %parallel_loop3A_715], %parallel_loop3A_718 {strides = array<i32>} : memref<2x128x128xf32, #tpu.memory_space<vmem>>, vector<1x1x16xf32>,
        %parallel_loop3A_719 = arith.constant 0 : i32
        %parallel_loop3A_720 = arith.index_cast %parallel_loop3A_719 : i32 to index
        %parallel_loop3A_721 = arith.index_cast %parallel_loop3A_578 : i32 to index
        %parallel_loop3A_722 = arith.constant 112 : index
        %parallel_loop3A_723 = tpu.vector_load %arg8[%parallel_loop3A_720, %parallel_loop3A_721, %parallel_loop3A_722] {strides = array<i32>} : memref<2x128x128xf32, #tpu.memory_space<vmem>>, vector<1x1x16xf32>,
        %parallel_loop3A_724 = vector.shape_cast %parallel_loop3A_723 : vector<1x1x16xf32> to vector<16xf32>
        %parallel_loop3A_725 = arith.constant 0 : i32
        %parallel_loop3A_726 = arith.index_cast %parallel_loop3A_725 : i32 to index
        %parallel_loop3A_727 = arith.index_cast %parallel_loop3A_578 : i32 to index
        %parallel_loop3A_728 = arith.constant 112 : index
        %parallel_loop3A_729 = tpu.vector_load %arg9[%parallel_loop3A_726, %parallel_loop3A_727, %parallel_loop3A_728] {strides = array<i32>} : memref<2x128x128xf32, #tpu.memory_space<vmem>>, vector<1x1x16xf32>,
        %parallel_loop3A_730 = vector.shape_cast %parallel_loop3A_729 : vector<1x1x16xf32> to vector<16xf32>
        %parallel_loop3A_731 = arith.addf %parallel_loop3A_724, %parallel_loop3A_730 : vector<16xf32>
        %parallel_loop3A_732 = arith.constant 0 : i32
        %parallel_loop3A_733 = arith.index_cast %parallel_loop3A_732 : i32 to index
        %parallel_loop3A_734 = arith.index_cast %parallel_loop3A_578 : i32 to index
        %parallel_loop3A_735 = arith.constant 112 : index
        %parallel_loop3A_736 = tpu.vector_load %arg10[%parallel_loop3A_733, %parallel_loop3A_734, %parallel_loop3A_735] {strides = array<i32>} : memref<2x128x128xf32, #tpu.memory_space<vmem>>, vector<1x1x16xf32>,
        %parallel_loop3A_737 = vector.shape_cast %parallel_loop3A_736 : vector<1x1x16xf32> to vector<16xf32>
        %parallel_loop3A_738 = vector.shape_cast %parallel_loop3A_731 : vector<16xf32> to vector<1x1x16xf32>
        tpu.vector_store %arg10[%parallel_loop3A_733, %parallel_loop3A_734, %parallel_loop3A_735], %parallel_loop3A_738 {strides = array<i32>} : memref<2x128x128xf32, #tpu.memory_space<vmem>>, vector<1x1x16xf32>,
      } {sc.loop_unroll_factor = 1 : i64, sc.parallel_access}
      %mul3A_495 = arith.constant 128 : i32
      %mul3A_496 = arith.muli %mul3A_259, %mul3A_495 : i32
      %add3A_497 = arith.addi %mul3A_2, %mul3A_496 : i32
      %dma_start3A_498 = arith.constant 0 : i32
      %dma_start3A_499 = arith.constant 0 : i32
      %dma_start3A_500 = arith.constant 0 : i32
      %dma_start3A_501 = tpu.memref_slice %arg10[%dma_start3A_498, %dma_start3A_499, %dma_start3A_500] : memref<2x128x128xf32, #tpu.memory_space<vmem>> -> memref<1x128x128xf32, #tpu.memory_space<vmem>>
      %dma_start3A_502 = tpu.memref_squeeze %dma_start3A_501 : memref<1x128x128xf32, #tpu.memory_space<vmem>> -> memref<128x128xf32, #tpu.memory_space<vmem>>
      %dma_start3A_503 = arith.constant 0 : i32
      %dma_start3A_504 = tpu.memref_slice %arg5[%add3A_497, %dma_start3A_503] : memref<204800x128xf32, #tpu.memory_space<hbm>> -> memref<128x128xf32, #tpu.memory_space<hbm>>
      %dma_start3A_505 = arith.constant 0 : i32
      %dma_start3A_506 = tpu.memref_slice %arg5[%add3A_497, %dma_start3A_505] : memref<204800x128xf32, #tpu.memory_space<hbm>> -> memref<128x128xf32, #tpu.memory_space<hbm>>
      %dma_start3A_507 = arith.constant 0 : i32
      %dma_start3A_508 = arith.constant 0 : i32
      %dma_start3A_509 = tpu.memref_slice %arg10[%dma_start3A_498, %dma_start3A_507, %dma_start3A_508] : memref<2x128x128xf32, #tpu.memory_space<vmem>> -> memref<1x128x128xf32, #tpu.memory_space<vmem>>
      %dma_start3A_510 = tpu.memref_squeeze %dma_start3A_509 : memref<1x128x128xf32, #tpu.memory_space<vmem>> -> memref<128x128xf32, #tpu.memory_space<vmem>>
      tpu.enqueue_dma source(%dma_start3A_510 : memref<128x128xf32, #tpu.memory_space<vmem>>) target(%dma_start3A_506 : memref<128x128xf32, #tpu.memory_space<hbm>>) target_semaphore(%arg13 : memref<!tpu.dma_semaphore, #tpu.memory_space<semaphore_mem>>)
      %lt3A_511 = arith.constant 24 : i32
      %lt3A_512 = arith.cmpi slt, %scan3A_256, %lt3A_511 : i32
      %convert_element_type3A_513 = arith.extui %lt3A_512 : i1 to i32
      %cond3A_514 = arith.constant 0 : i32
      %cond3A_515 = arith.cmpi ne, %convert_element_type3A_513, %cond3A_514 : i32
      scf.if %cond3A_515 {
        %dma_wait3A_578 = arith.constant 0 : i32
        %dma_wait3A_579 = arith.constant 0 : i32
        %dma_wait3A_580 = tpu.memref_slice %arg6[%dma_wait3A_578, %dma_wait3A_579] : memref<2x384xi32, #tpu.memory_space<vmem>> -> memref<1x384xi32, #tpu.memory_space<vmem>>
        %dma_wait3A_581 = tpu.memref_squeeze %dma_wait3A_580 : memref<1x384xi32, #tpu.memory_space<vmem>> -> memref<384xi32, #tpu.memory_space<vmem>>
        %dma_wait3A_582 = arith.constant 0 : i32
        %dma_wait3A_583 = tpu.memref_slice %arg2[%dma_wait3A_582] : memref<614400xi32, #tpu.memory_space<hbm>> -> memref<384xi32, #tpu.memory_space<hbm>>
        %dma_wait3A_584 = arith.constant 0 : i32
        %dma_wait3A_585 = tpu.memref_slice %arg6[%dma_wait3A_578, %dma_wait3A_584] : memref<2x384xi32, #tpu.memory_space<vmem>> -> memref<1x384xi32, #tpu.memory_space<vmem>>
        %dma_wait3A_586 = tpu.memref_squeeze %dma_wait3A_585 : memref<1x384xi32, #tpu.memory_space<vmem>> -> memref<384xi32, #tpu.memory_space<vmem>>
        %dma_wait3A_587 = arith.constant 0 : i32
        %dma_wait3A_588 = tpu.memref_slice %arg2[%dma_wait3A_587] : memref<614400xi32, #tpu.memory_space<hbm>> -> memref<384xi32, #tpu.memory_space<hbm>>
        tpu.wait_dma2 semaphore(%arg15 : memref<!tpu.dma_semaphore, #tpu.memory_space<semaphore_mem>>) src(%dma_wait3A_588 : memref<384xi32, #tpu.memory_space<hbm>>) dst(%dma_wait3A_586 : memref<384xi32, #tpu.memory_space<vmem>>)
        %add3A_589 = arith.constant 2 : i32
        %add3A_590 = arith.addi %mul3A_259, %add3A_589 : i32
        %get3A_591 = arith.constant 0 : i32
        %get3A_592 = arith.index_cast %get3A_591 : i32 to index
        %get3A_593 = arith.constant 256 : index
        %get3A_594 = tpu.vector_load %arg6[%get3A_592, %get3A_593] {strides = array<i32>} : memref<2x384xi32, #tpu.memory_space<vmem>>, vector<1x16xi32>,
        %get3A_595 = vector.shape_cast %get3A_594 : vector<1x16xi32> to vector<16xi32>
        %mul3A_596 = arith.constant 16 : i32
        %mul3A_597 = vector.broadcast %mul3A_596 : i32 to vector<16xi32>
        %mul3A_598 = arith.muli %get3A_595, %mul3A_597 : vector<16xi32>
        %get3A_599 = arith.constant 0 : i32
        %get3A_600 = arith.index_cast %get3A_599 : i32 to index
        %get3A_601 = arith.constant 128 : index
        %get3A_602 = tpu.vector_load %arg6[%get3A_600, %get3A_601] {strides = array<i32>} : memref<2x384xi32, #tpu.memory_space<vmem>>, vector<1x16xi32>,
        %get3A_603 = vector.shape_cast %get3A_602 : vector<1x16xi32> to vector<16xi32>
        %add3A_604 = arith.addi %mul3A_598, %get3A_603 : vector<16xi32>
        %swap3A_605 = arith.constant 0 : i32
        %swap3A_606 = arith.index_cast %swap3A_605 : i32 to index
        %swap3A_607 = arith.constant 0 : index
        %swap3A_608 = tpu.vector_load %arg7[%swap3A_606, %swap3A_607] {strides = array<i32>} : memref<2x128xi32, #tpu.memory_space<vmem>>, vector<1x16xi32>,
        %swap3A_609 = vector.shape_cast %swap3A_608 : vector<1x16xi32> to vector<16xi32>
        %swap3A_610 = vector.shape_cast %add3A_604 : vector<16xi32> to vector<1x16xi32>
        tpu.vector_store %arg7[%swap3A_606, %swap3A_607], %swap3A_610 {strides = array<i32>} : memref<2x128xi32, #tpu.memory_space<vmem>>, vector<1x16xi32>,
        %get3A_611 = arith.constant 0 : i32
        %get3A_612 = arith.index_cast %get3A_611 : i32 to index
        %get3A_613 = arith.constant 272 : index
        %get3A_614 = tpu.vector_load %arg6[%get3A_612, %get3A_613] {strides = array<i32>} : memref<2x384xi32, #tpu.memory_space<vmem>>, vector<1x16xi32>,
        %get3A_615 = vector.shape_cast %get3A_614 : vector<1x16xi32> to vector<16xi32>
        %mul3A_616 = arith.constant 16 : i32
        %mul3A_617 = vector.broadcast %mul3A_616 : i32 to vector<16xi32>
        %mul3A_618 = arith.muli %get3A_615, %mul3A_617 : vector<16xi32>
        %get3A_619 = arith.constant 0 : i32
        %get3A_620 = arith.index_cast %get3A_619 : i32 to index
        %get3A_621 = arith.constant 144 : index
        %get3A_622 = tpu.vector_load %arg6[%get3A_620, %get3A_621] {strides = array<i32>} : memref<2x384xi32, #tpu.memory_space<vmem>>, vector<1x16xi32>,
        %get3A_623 = vector.shape_cast %get3A_622 : vector<1x16xi32> to vector<16xi32>
        %add3A_624 = arith.addi %mul3A_618, %get3A_623 : vector<16xi32>
        %swap3A_625 = arith.constant 0 : i32
        %swap3A_626 = arith.index_cast %swap3A_625 : i32 to index
        %swap3A_627 = arith.constant 16 : index
        %swap3A_628 = tpu.vector_load %arg7[%swap3A_626, %swap3A_627] {strides = array<i32>} : memref<2x128xi32, #tpu.memory_space<vmem>>, vector<1x16xi32>,
        %swap3A_629 = vector.shape_cast %swap3A_628 : vector<1x16xi32> to vector<16xi32>
        %swap3A_630 = vector.shape_cast %add3A_624 : vector<16xi32> to vector<1x16xi32>
        tpu.vector_store %arg7[%swap3A_626, %swap3A_627], %swap3A_630 {strides = array<i32>} : memref<2x128xi32, #tpu.memory_space<vmem>>, vector<1x16xi32>,
        %get3A_631 = arith.constant 0 : i32
        %get3A_632 = arith.index_cast %get3A_631 : i32 to index
        %get3A_633 = arith.constant 288 : index
        %get3A_634 = tpu.vector_load %arg6[%get3A_632, %get3A_633] {strides = array<i32>} : memref<2x384xi32, #tpu.memory_space<vmem>>, vector<1x16xi32>,
        %get3A_635 = vector.shape_cast %get3A_634 : vector<1x16xi32> to vector<16xi32>
        %mul3A_636 = arith.constant 16 : i32
        %mul3A_637 = vector.broadcast %mul3A_636 : i32 to vector<16xi32>
        %mul3A_638 = arith.muli %get3A_635, %mul3A_637 : vector<16xi32>
        %get3A_639 = arith.constant 0 : i32
        %get3A_640 = arith.index_cast %get3A_639 : i32 to index
        %get3A_641 = arith.constant 160 : index
        %get3A_642 = tpu.vector_load %arg6[%get3A_640, %get3A_641] {strides = array<i32>} : memref<2x384xi32, #tpu.memory_space<vmem>>, vector<1x16xi32>,
        %get3A_643 = vector.shape_cast %get3A_642 : vector<1x16xi32> to vector<16xi32>
        %add3A_644 = arith.addi %mul3A_638, %get3A_643 : vector<16xi32>
        %swap3A_645 = arith.constant 0 : i32
        %swap3A_646 = arith.index_cast %swap3A_645 : i32 to index
        %swap3A_647 = arith.constant 32 : index
        %swap3A_648 = tpu.vector_load %arg7[%swap3A_646, %swap3A_647] {strides = array<i32>} : memref<2x128xi32, #tpu.memory_space<vmem>>, vector<1x16xi32>,
        %swap3A_649 = vector.shape_cast %swap3A_648 : vector<1x16xi32> to vector<16xi32>
        %swap3A_650 = vector.shape_cast %add3A_644 : vector<16xi32> to vector<1x16xi32>
        tpu.vector_store %arg7[%swap3A_646, %swap3A_647], %swap3A_650 {strides = array<i32>} : memref<2x128xi32, #tpu.memory_space<vmem>>, vector<1x16xi32>,
        %get3A_651 = arith.constant 0 : i32
        %get3A_652 = arith.index_cast %get3A_651 : i32 to index
        %get3A_653 = arith.constant 304 : index
        %get3A_654 = tpu.vector_load %arg6[%get3A_652, %get3A_653] {strides = array<i32>} : memref<2x384xi32, #tpu.memory_space<vmem>>, vector<1x16xi32>,
        %get3A_655 = vector.shape_cast %get3A_654 : vector<1x16xi32> to vector<16xi32>
        %mul3A_656 = arith.constant 16 : i32
        %mul3A_657 = vector.broadcast %mul3A_656 : i32 to vector<16xi32>
        %mul3A_658 = arith.muli %get3A_655, %mul3A_657 : vector<16xi32>
        %get3A_659 = arith.constant 0 : i32
        %get3A_660 = arith.index_cast %get3A_659 : i32 to index
        %get3A_661 = arith.constant 176 : index
        %get3A_662 = tpu.vector_load %arg6[%get3A_660, %get3A_661] {strides = array<i32>} : memref<2x384xi32, #tpu.memory_space<vmem>>, vector<1x16xi32>,
        %get3A_663 = vector.shape_cast %get3A_662 : vector<1x16xi32> to vector<16xi32>
        %add3A_664 = arith.addi %mul3A_658, %get3A_663 : vector<16xi32>
        %swap3A_665 = arith.constant 0 : i32
        %swap3A_666 = arith.index_cast %swap3A_665 : i32 to index
        %swap3A_667 = arith.constant 48 : index
        %swap3A_668 = tpu.vector_load %arg7[%swap3A_666, %swap3A_667] {strides = array<i32>} : memref<2x128xi32, #tpu.memory_space<vmem>>, vector<1x16xi32>,
        %swap3A_669 = vector.shape_cast %swap3A_668 : vector<1x16xi32> to vector<16xi32>
        %swap3A_670 = vector.shape_cast %add3A_664 : vector<16xi32> to vector<1x16xi32>
        tpu.vector_store %arg7[%swap3A_666, %swap3A_667], %swap3A_670 {strides = array<i32>} : memref<2x128xi32, #tpu.memory_space<vmem>>, vector<1x16xi32>,
        %get3A_671 = arith.constant 0 : i32
        %get3A_672 = arith.index_cast %get3A_671 : i32 to index
        %get3A_673 = arith.constant 320 : index
        %get3A_674 = tpu.vector_load %arg6[%get3A_672, %get3A_673] {strides = array<i32>} : memref<2x384xi32, #tpu.memory_space<vmem>>, vector<1x16xi32>,
        %get3A_675 = vector.shape_cast %get3A_674 : vector<1x16xi32> to vector<16xi32>
        %mul3A_676 = arith.constant 16 : i32
        %mul3A_677 = vector.broadcast %mul3A_676 : i32 to vector<16xi32>
        %mul3A_678 = arith.muli %get3A_675, %mul3A_677 : vector<16xi32>
        %get3A_679 = arith.constant 0 : i32
        %get3A_680 = arith.index_cast %get3A_679 : i32 to index
        %get3A_681 = arith.constant 192 : index
        %get3A_682 = tpu.vector_load %arg6[%get3A_680, %get3A_681] {strides = array<i32>} : memref<2x384xi32, #tpu.memory_space<vmem>>, vector<1x16xi32>,
        %get3A_683 = vector.shape_cast %get3A_682 : vector<1x16xi32> to vector<16xi32>
        %add3A_684 = arith.addi %mul3A_678, %get3A_683 : vector<16xi32>
        %swap3A_685 = arith.constant 0 : i32
        %swap3A_686 = arith.index_cast %swap3A_685 : i32 to index
        %swap3A_687 = arith.constant 64 : index
        %swap3A_688 = tpu.vector_load %arg7[%swap3A_686, %swap3A_687] {strides = array<i32>} : memref<2x128xi32, #tpu.memory_space<vmem>>, vector<1x16xi32>,
        %swap3A_689 = vector.shape_cast %swap3A_688 : vector<1x16xi32> to vector<16xi32>
        %swap3A_690 = vector.shape_cast %add3A_684 : vector<16xi32> to vector<1x16xi32>
        tpu.vector_store %arg7[%swap3A_686, %swap3A_687], %swap3A_690 {strides = array<i32>} : memref<2x128xi32, #tpu.memory_space<vmem>>, vector<1x16xi32>,
        %get3A_691 = arith.constant 0 : i32
        %get3A_692 = arith.index_cast %get3A_691 : i32 to index
        %get3A_693 = arith.constant 336 : index
        %get3A_694 = tpu.vector_load %arg6[%get3A_692, %get3A_693] {strides = array<i32>} : memref<2x384xi32, #tpu.memory_space<vmem>>, vector<1x16xi32>,
        %get3A_695 = vector.shape_cast %get3A_694 : vector<1x16xi32> to vector<16xi32>
        %mul3A_696 = arith.constant 16 : i32
        %mul3A_697 = vector.broadcast %mul3A_696 : i32 to vector<16xi32>
        %mul3A_698 = arith.muli %get3A_695, %mul3A_697 : vector<16xi32>
        %get3A_699 = arith.constant 0 : i32
        %get3A_700 = arith.index_cast %get3A_699 : i32 to index
        %get3A_701 = arith.constant 208 : index
        %get3A_702 = tpu.vector_load %arg6[%get3A_700, %get3A_701] {strides = array<i32>} : memref<2x384xi32, #tpu.memory_space<vmem>>, vector<1x16xi32>,
        %get3A_703 = vector.shape_cast %get3A_702 : vector<1x16xi32> to vector<16xi32>
        %add3A_704 = arith.addi %mul3A_698, %get3A_703 : vector<16xi32>
        %swap3A_705 = arith.constant 0 : i32
        %swap3A_706 = arith.index_cast %swap3A_705 : i32 to index
        %swap3A_707 = arith.constant 80 : index
        %swap3A_708 = tpu.vector_load %arg7[%swap3A_706, %swap3A_707] {strides = array<i32>} : memref<2x128xi32, #tpu.memory_space<vmem>>, vector<1x16xi32>,
        %swap3A_709 = vector.shape_cast %swap3A_708 : vector<1x16xi32> to vector<16xi32>
        %swap3A_710 = vector.shape_cast %add3A_704 : vector<16xi32> to vector<1x16xi32>
        tpu.vector_store %arg7[%swap3A_706, %swap3A_707], %swap3A_710 {strides = array<i32>} : memref<2x128xi32, #tpu.memory_space<vmem>>, vector<1x16xi32>,
        %get3A_711 = arith.constant 0 : i32
        %get3A_712 = arith.index_cast %get3A_711 : i32 to index
        %get3A_713 = arith.constant 352 : index
        %get3A_714 = tpu.vector_load %arg6[%get3A_712, %get3A_713] {strides = array<i32>} : memref<2x384xi32, #tpu.memory_space<vmem>>, vector<1x16xi32>,
        %get3A_715 = vector.shape_cast %get3A_714 : vector<1x16xi32> to vector<16xi32>
        %mul3A_716 = arith.constant 16 : i32
        %mul3A_717 = vector.broadcast %mul3A_716 : i32 to vector<16xi32>
        %mul3A_718 = arith.muli %get3A_715, %mul3A_717 : vector<16xi32>
        %get3A_719 = arith.constant 0 : i32
        %get3A_720 = arith.index_cast %get3A_719 : i32 to index
        %get3A_721 = arith.constant 224 : index
        %get3A_722 = tpu.vector_load %arg6[%get3A_720, %get3A_721] {strides = array<i32>} : memref<2x384xi32, #tpu.memory_space<vmem>>, vector<1x16xi32>,
        %get3A_723 = vector.shape_cast %get3A_722 : vector<1x16xi32> to vector<16xi32>
        %add3A_724 = arith.addi %mul3A_718, %get3A_723 : vector<16xi32>
        %swap3A_725 = arith.constant 0 : i32
        %swap3A_726 = arith.index_cast %swap3A_725 : i32 to index
        %swap3A_727 = arith.constant 96 : index
        %swap3A_728 = tpu.vector_load %arg7[%swap3A_726, %swap3A_727] {strides = array<i32>} : memref<2x128xi32, #tpu.memory_space<vmem>>, vector<1x16xi32>,
        %swap3A_729 = vector.shape_cast %swap3A_728 : vector<1x16xi32> to vector<16xi32>
        %swap3A_730 = vector.shape_cast %add3A_724 : vector<16xi32> to vector<1x16xi32>
        tpu.vector_store %arg7[%swap3A_726, %swap3A_727], %swap3A_730 {strides = array<i32>} : memref<2x128xi32, #tpu.memory_space<vmem>>, vector<1x16xi32>,
        %get3A_731 = arith.constant 0 : i32
        %get3A_732 = arith.index_cast %get3A_731 : i32 to index
        %get3A_733 = arith.constant 368 : index
        %get3A_734 = tpu.vector_load %arg6[%get3A_732, %get3A_733] {strides = array<i32>} : memref<2x384xi32, #tpu.memory_space<vmem>>, vector<1x16xi32>,
        %get3A_735 = vector.shape_cast %get3A_734 : vector<1x16xi32> to vector<16xi32>
        %mul3A_736 = arith.constant 16 : i32
        %mul3A_737 = vector.broadcast %mul3A_736 : i32 to vector<16xi32>
        %mul3A_738 = arith.muli %get3A_735, %mul3A_737 : vector<16xi32>
        %get3A_739 = arith.constant 0 : i32
        %get3A_740 = arith.index_cast %get3A_739 : i32 to index
        %get3A_741 = arith.constant 240 : index
        %get3A_742 = tpu.vector_load %arg6[%get3A_740, %get3A_741] {strides = array<i32>} : memref<2x384xi32, #tpu.memory_space<vmem>>, vector<1x16xi32>,
        %get3A_743 = vector.shape_cast %get3A_742 : vector<1x16xi32> to vector<16xi32>
        %add3A_744 = arith.addi %mul3A_738, %get3A_743 : vector<16xi32>
        %swap3A_745 = arith.constant 0 : i32
        %swap3A_746 = arith.index_cast %swap3A_745 : i32 to index
        %swap3A_747 = arith.constant 112 : index
        %swap3A_748 = tpu.vector_load %arg7[%swap3A_746, %swap3A_747] {strides = array<i32>} : memref<2x128xi32, #tpu.memory_space<vmem>>, vector<1x16xi32>,
        %swap3A_749 = vector.shape_cast %swap3A_748 : vector<1x16xi32> to vector<16xi32>
        %swap3A_750 = vector.shape_cast %add3A_744 : vector<16xi32> to vector<1x16xi32>
        tpu.vector_store %arg7[%swap3A_746, %swap3A_747], %swap3A_750 {strides = array<i32>} : memref<2x128xi32, #tpu.memory_space<vmem>>, vector<1x16xi32>,
        %dma_start3A_751 = arith.constant 0 : i32
        %dma_start3A_752 = arith.constant 0 : i32
        %dma_start3A_753 = arith.constant 0 : i32
        %dma_start3A_754 = arith.constant 0 : i32
        %dma_start3A_755 = tpu.memref_slice %arg8[%dma_start3A_752, %dma_start3A_753, %dma_start3A_754] : memref<2x128x128xf32, #tpu.memory_space<vmem>> -> memref<1x128x128xf32, #tpu.memory_space<vmem>>
        %dma_start3A_756 = tpu.memref_squeeze %dma_start3A_755 : memref<1x128x128xf32, #tpu.memory_space<vmem>> -> memref<128x128xf32, #tpu.memory_space<vmem>>
        %dma_start3A_757 = arith.constant 0 : i32
        %dma_start3A_758 = tpu.memref_slice %arg6[%dma_start3A_751, %dma_start3A_757] : memref<2x384xi32, #tpu.memory_space<vmem>> -> memref<1x128xi32, #tpu.memory_space<vmem>>
        %dma_start3A_759 = tpu.memref_squeeze %dma_start3A_758 : memref<1x128xi32, #tpu.memory_space<vmem>> -> memref<128xi32, #tpu.memory_space<vmem>>
        %dma_start3A_760 = arith.constant 0 : i32
        %dma_start3A_761 = arith.constant 0 : i32
        %dma_start3A_762 = tpu.memref_slice %arg3[%dma_start3A_760, %dma_start3A_761] : memref<100000x128xf32, #tpu.memory_space<hbm>> -> memref<100000x128xf32, #tpu.memory_space<hbm>>
        tpu.enqueue_indirect_dma source(%dma_start3A_762 : memref<100000x128xf32, #tpu.memory_space<hbm>>) target(%dma_start3A_756 : memref<128x128xf32, #tpu.memory_space<vmem>>) offsets(%dma_start3A_759 : memref<128xi32, #tpu.memory_space<vmem>>) semaphore(%arg11 : memref<!tpu.dma_semaphore, #tpu.memory_space<semaphore_mem>>)
        %dma_start3A_763 = arith.constant 0 : i32
        %dma_start3A_764 = arith.constant 0 : i32
        %dma_start3A_765 = arith.constant 0 : i32
        %dma_start3A_766 = arith.constant 0 : i32
        %dma_start3A_767 = tpu.memref_slice %arg9[%dma_start3A_764, %dma_start3A_765, %dma_start3A_766] : memref<2x128x128xf32, #tpu.memory_space<vmem>> -> memref<1x128x128xf32, #tpu.memory_space<vmem>>
        %dma_start3A_768 = tpu.memref_squeeze %dma_start3A_767 : memref<1x128x128xf32, #tpu.memory_space<vmem>> -> memref<128x128xf32, #tpu.memory_space<vmem>>
        %dma_start3A_769 = arith.constant 0 : i32
        %dma_start3A_770 = tpu.memref_slice %arg7[%dma_start3A_763, %dma_start3A_769] : memref<2x128xi32, #tpu.memory_space<vmem>> -> memref<1x128xi32, #tpu.memory_space<vmem>>
        %dma_start3A_771 = tpu.memref_squeeze %dma_start3A_770 : memref<1x128xi32, #tpu.memory_space<vmem>> -> memref<128xi32, #tpu.memory_space<vmem>>
        %dma_start3A_772 = arith.constant 0 : i32
        %dma_start3A_773 = arith.constant 0 : i32
        %dma_start3A_774 = tpu.memref_slice %arg4[%dma_start3A_772, %dma_start3A_773] : memref<8208x128xf32, #tpu.memory_space<hbm>> -> memref<8208x128xf32, #tpu.memory_space<hbm>>
        tpu.enqueue_indirect_dma source(%dma_start3A_774 : memref<8208x128xf32, #tpu.memory_space<hbm>>) target(%dma_start3A_768 : memref<128x128xf32, #tpu.memory_space<vmem>>) offsets(%dma_start3A_771 : memref<128xi32, #tpu.memory_space<vmem>>) semaphore(%arg11 : memref<!tpu.dma_semaphore, #tpu.memory_space<semaphore_mem>>)
      } else {
      }
      %dma_wait3A_516 = arith.constant 1 : i32
      %dma_wait3A_517 = arith.constant 0 : i32
      %dma_wait3A_518 = arith.constant 0 : i32
      %dma_wait3A_519 = tpu.memref_slice %arg8[%dma_wait3A_516, %dma_wait3A_517, %dma_wait3A_518] : memref<2x128x128xf32, #tpu.memory_space<vmem>> -> memref<1x128x128xf32, #tpu.memory_space<vmem>>
      %dma_wait3A_520 = tpu.memref_squeeze %dma_wait3A_519 : memref<1x128x128xf32, #tpu.memory_space<vmem>> -> memref<128x128xf32, #tpu.memory_space<vmem>>
      %dma_wait3A_521 = arith.constant 0 : i32
      %dma_wait3A_522 = arith.constant 0 : i32
      %dma_wait3A_523 = tpu.memref_slice %arg3[%dma_wait3A_521, %dma_wait3A_522] : memref<100000x128xf32, #tpu.memory_space<hbm>> -> memref<128x128xf32, #tpu.memory_space<hbm>>
      %dma_wait3A_524 = arith.constant 0 : i32
      %dma_wait3A_525 = arith.constant 0 : i32
      %dma_wait3A_526 = tpu.memref_slice %arg8[%dma_wait3A_516, %dma_wait3A_524, %dma_wait3A_525] : memref<2x128x128xf32, #tpu.memory_space<vmem>> -> memref<1x128x128xf32, #tpu.memory_space<vmem>>
      %dma_wait3A_527 = tpu.memref_squeeze %dma_wait3A_526 : memref<1x128x128xf32, #tpu.memory_space<vmem>> -> memref<128x128xf32, #tpu.memory_space<vmem>>
      %dma_wait3A_528 = arith.constant 0 : i32
      %dma_wait3A_529 = arith.constant 0 : i32
      %dma_wait3A_530 = tpu.memref_slice %arg3[%dma_wait3A_528, %dma_wait3A_529] : memref<100000x128xf32, #tpu.memory_space<hbm>> -> memref<128x128xf32, #tpu.memory_space<hbm>>
      tpu.wait_dma2 semaphore(%arg12 : memref<!tpu.dma_semaphore, #tpu.memory_space<semaphore_mem>>) src(%dma_wait3A_530 : memref<128x128xf32, #tpu.memory_space<hbm>>) dst(%dma_wait3A_527 : memref<128x128xf32, #tpu.memory_space<vmem>>)
      %dma_wait3A_531 = arith.constant 1 : i32
      %dma_wait3A_532 = arith.constant 0 : i32
      %dma_wait3A_533 = arith.constant 0 : i32
      %dma_wait3A_534 = tpu.memref_slice %arg9[%dma_wait3A_531, %dma_wait3A_532, %dma_wait3A_533] : memref<2x128x128xf32, #tpu.memory_space<vmem>> -> memref<1x128x128xf32, #tpu.memory_space<vmem>>
      %dma_wait3A_535 = tpu.memref_squeeze %dma_wait3A_534 : memref<1x128x128xf32, #tpu.memory_space<vmem>> -> memref<128x128xf32, #tpu.memory_space<vmem>>
      %dma_wait3A_536 = arith.constant 0 : i32
      %dma_wait3A_537 = arith.constant 0 : i32
      %dma_wait3A_538 = tpu.memref_slice %arg3[%dma_wait3A_536, %dma_wait3A_537] : memref<100000x128xf32, #tpu.memory_space<hbm>> -> memref<128x128xf32, #tpu.memory_space<hbm>>
      %dma_wait3A_539 = arith.constant 0 : i32
      %dma_wait3A_540 = arith.constant 0 : i32
      %dma_wait3A_541 = tpu.memref_slice %arg9[%dma_wait3A_531, %dma_wait3A_539, %dma_wait3A_540] : memref<2x128x128xf32, #tpu.memory_space<vmem>> -> memref<1x128x128xf32, #tpu.memory_space<vmem>>
      %dma_wait3A_542 = tpu.memref_squeeze %dma_wait3A_541 : memref<1x128x128xf32, #tpu.memory_space<vmem>> -> memref<128x128xf32, #tpu.memory_space<vmem>>
      %dma_wait3A_543 = arith.constant 0 : i32
      %dma_wait3A_544 = arith.constant 0 : i32
      %dma_wait3A_545 = tpu.memref_slice %arg3[%dma_wait3A_543, %dma_wait3A_544] : memref<100000x128xf32, #tpu.memory_space<hbm>> -> memref<128x128xf32, #tpu.memory_space<hbm>>
      tpu.wait_dma2 semaphore(%arg12 : memref<!tpu.dma_semaphore, #tpu.memory_space<semaphore_mem>>) src(%dma_wait3A_545 : memref<128x128xf32, #tpu.memory_space<hbm>>) dst(%dma_wait3A_542 : memref<128x128xf32, #tpu.memory_space<vmem>>)
      %lt3A_546 = arith.constant 24 : i32
      %lt3A_547 = arith.cmpi slt, %scan3A_256, %lt3A_546 : i32
      %convert_element_type3A_548 = arith.extui %lt3A_547 : i1 to i32
      %cond3A_549 = arith.constant 0 : i32
      %cond3A_550 = arith.cmpi ne, %convert_element_type3A_548, %cond3A_549 : i32
      scf.if %cond3A_550 {
        %add3A_578 = arith.constant 3 : i32
        %add3A_579 = arith.addi %mul3A_259, %add3A_578 : i32
        %mul3A_580 = arith.constant 50 : i32
        %mul3A_581 = arith.muli %add3A, %mul3A_580 : i32
        %add3A_582 = arith.addi %mul3A_581, %add3A_579 : i32
        %mul3A_583 = arith.constant 384 : i32
        %mul3A_584 = arith.muli %add3A_582, %mul3A_583 : i32
        %dma_start3A_585 = arith.constant 1 : i32
        %dma_start3A_586 = arith.constant 0 : i32
        %dma_start3A_587 = tpu.memref_slice %arg6[%dma_start3A_585, %dma_start3A_586] : memref<2x384xi32, #tpu.memory_space<vmem>> -> memref<1x384xi32, #tpu.memory_space<vmem>>
        %dma_start3A_588 = tpu.memref_squeeze %dma_start3A_587 : memref<1x384xi32, #tpu.memory_space<vmem>> -> memref<384xi32, #tpu.memory_space<vmem>>
        %dma_start3A_589 = tpu.memref_slice %arg2[%mul3A_584] : memref<614400xi32, #tpu.memory_space<hbm>> -> memref<384xi32, #tpu.memory_space<hbm>>
        %dma_start3A_590 = arith.constant 0 : i32
        %dma_start3A_591 = tpu.memref_slice %arg6[%dma_start3A_585, %dma_start3A_590] : memref<2x384xi32, #tpu.memory_space<vmem>> -> memref<1x384xi32, #tpu.memory_space<vmem>>
        %dma_start3A_592 = tpu.memref_squeeze %dma_start3A_591 : memref<1x384xi32, #tpu.memory_space<vmem>> -> memref<384xi32, #tpu.memory_space<vmem>>
        %dma_start3A_593 = tpu.memref_slice %arg2[%mul3A_584] : memref<614400xi32, #tpu.memory_space<hbm>> -> memref<384xi32, #tpu.memory_space<hbm>>
        tpu.enqueue_dma source(%dma_start3A_593 : memref<384xi32, #tpu.memory_space<hbm>>) target(%dma_start3A_592 : memref<384xi32, #tpu.memory_space<vmem>>) target_semaphore(%arg16 : memref<!tpu.dma_semaphore, #tpu.memory_space<semaphore_mem>>)
      } else {
      }
      %gt3A_551 = arith.constant 0 : i32
      %gt3A_552 = arith.cmpi sgt, %scan3A_256, %gt3A_551 : i32
      %convert_element_type3A_553 = arith.extui %gt3A_552 : i1 to i32
      %cond3A_554 = arith.constant 0 : i32
      %cond3A_555 = arith.cmpi ne, %convert_element_type3A_553, %cond3A_554 : i32
      scf.if %cond3A_555 {
        %dma_wait3A_578 = arith.constant 1 : i32
        %dma_wait3A_579 = arith.constant 0 : i32
        %dma_wait3A_580 = arith.constant 0 : i32
        %dma_wait3A_581 = tpu.memref_slice %arg10[%dma_wait3A_578, %dma_wait3A_579, %dma_wait3A_580] : memref<2x128x128xf32, #tpu.memory_space<vmem>> -> memref<1x128x128xf32, #tpu.memory_space<vmem>>
        %dma_wait3A_582 = tpu.memref_squeeze %dma_wait3A_581 : memref<1x128x128xf32, #tpu.memory_space<vmem>> -> memref<128x128xf32, #tpu.memory_space<vmem>>
        %dma_wait3A_583 = arith.constant 0 : i32
        %dma_wait3A_584 = tpu.memref_slice %arg5[%mul3A_2, %dma_wait3A_583] : memref<204800x128xf32, #tpu.memory_space<hbm>> -> memref<128x128xf32, #tpu.memory_space<hbm>>
        %dma_wait3A_585 = arith.constant 0 : i32
        %dma_wait3A_586 = tpu.memref_slice %arg5[%mul3A_2, %dma_wait3A_585] : memref<204800x128xf32, #tpu.memory_space<hbm>> -> memref<128x128xf32, #tpu.memory_space<hbm>>
        %dma_wait3A_587 = arith.constant 0 : i32
        %dma_wait3A_588 = arith.constant 0 : i32
        %dma_wait3A_589 = tpu.memref_slice %arg10[%dma_wait3A_578, %dma_wait3A_587, %dma_wait3A_588] : memref<2x128x128xf32, #tpu.memory_space<vmem>> -> memref<1x128x128xf32, #tpu.memory_space<vmem>>
        %dma_wait3A_590 = tpu.memref_squeeze %dma_wait3A_589 : memref<1x128x128xf32, #tpu.memory_space<vmem>> -> memref<128x128xf32, #tpu.memory_space<vmem>>
        tpu.wait_dma2 semaphore(%arg14 : memref<!tpu.dma_semaphore, #tpu.memory_space<semaphore_mem>>) src(%dma_wait3A_590 : memref<128x128xf32, #tpu.memory_space<vmem>>) dst(%dma_wait3A_586 : memref<128x128xf32, #tpu.memory_space<hbm>>)
      } else {
      }
      %add3A_556 = arith.constant 1 : i32
      %add3A_557 = arith.addi %mul3A_259, %add3A_556 : i32
      %parallel_loop3A_558 = arith.constant 0 : i32
      %parallel_loop3A_559 = arith.constant 128 : i32
      %parallel_loop3A_560 = arith.constant 1 : i32
      scf.for %parallel_loop3A_578 = %parallel_loop3A_558 to %parallel_loop3A_559 step %parallel_loop3A_560  : i32 {
        %parallel_loop3A_579 = arith.constant 1 : i32
        %parallel_loop3A_580 = arith.index_cast %parallel_loop3A_579 : i32 to index
        %parallel_loop3A_581 = arith.index_cast %parallel_loop3A_578 : i32 to index
        %parallel_loop3A_582 = arith.constant 0 : index
        %parallel_loop3A_583 = tpu.vector_load %arg8[%parallel_loop3A_580, %parallel_loop3A_581, %parallel_loop3A_582] {strides = array<i32>} : memref<2x128x128xf32, #tpu.memory_space<vmem>>, vector<1x1x16xf32>,
        %parallel_loop3A_584 = vector.shape_cast %parallel_loop3A_583 : vector<1x1x16xf32> to vector<16xf32>
        %parallel_loop3A_585 = arith.constant 1 : i32
        %parallel_loop3A_586 = arith.index_cast %parallel_loop3A_585 : i32 to index
        %parallel_loop3A_587 = arith.index_cast %parallel_loop3A_578 : i32 to index
        %parallel_loop3A_588 = arith.constant 0 : index
        %parallel_loop3A_589 = tpu.vector_load %arg9[%parallel_loop3A_586, %parallel_loop3A_587, %parallel_loop3A_588] {strides = array<i32>} : memref<2x128x128xf32, #tpu.memory_space<vmem>>, vector<1x1x16xf32>,
        %parallel_loop3A_590 = vector.shape_cast %parallel_loop3A_589 : vector<1x1x16xf32> to vector<16xf32>
        %parallel_loop3A_591 = arith.addf %parallel_loop3A_584, %parallel_loop3A_590 : vector<16xf32>
        %parallel_loop3A_592 = arith.constant 1 : i32
        %parallel_loop3A_593 = arith.index_cast %parallel_loop3A_592 : i32 to index
        %parallel_loop3A_594 = arith.index_cast %parallel_loop3A_578 : i32 to index
        %parallel_loop3A_595 = arith.constant 0 : index
        %parallel_loop3A_596 = tpu.vector_load %arg10[%parallel_loop3A_593, %parallel_loop3A_594, %parallel_loop3A_595] {strides = array<i32>} : memref<2x128x128xf32, #tpu.memory_space<vmem>>, vector<1x1x16xf32>,
        %parallel_loop3A_597 = vector.shape_cast %parallel_loop3A_596 : vector<1x1x16xf32> to vector<16xf32>
        %parallel_loop3A_598 = vector.shape_cast %parallel_loop3A_591 : vector<16xf32> to vector<1x1x16xf32>
        tpu.vector_store %arg10[%parallel_loop3A_593, %parallel_loop3A_594, %parallel_loop3A_595], %parallel_loop3A_598 {strides = array<i32>} : memref<2x128x128xf32, #tpu.memory_space<vmem>>, vector<1x1x16xf32>,
        %parallel_loop3A_599 = arith.constant 1 : i32
        %parallel_loop3A_600 = arith.index_cast %parallel_loop3A_599 : i32 to index
        %parallel_loop3A_601 = arith.index_cast %parallel_loop3A_578 : i32 to index
        %parallel_loop3A_602 = arith.constant 16 : index
        %parallel_loop3A_603 = tpu.vector_load %arg8[%parallel_loop3A_600, %parallel_loop3A_601, %parallel_loop3A_602] {strides = array<i32>} : memref<2x128x128xf32, #tpu.memory_space<vmem>>, vector<1x1x16xf32>,
        %parallel_loop3A_604 = vector.shape_cast %parallel_loop3A_603 : vector<1x1x16xf32> to vector<16xf32>
        %parallel_loop3A_605 = arith.constant 1 : i32
        %parallel_loop3A_606 = arith.index_cast %parallel_loop3A_605 : i32 to index
        %parallel_loop3A_607 = arith.index_cast %parallel_loop3A_578 : i32 to index
        %parallel_loop3A_608 = arith.constant 16 : index
        %parallel_loop3A_609 = tpu.vector_load %arg9[%parallel_loop3A_606, %parallel_loop3A_607, %parallel_loop3A_608] {strides = array<i32>} : memref<2x128x128xf32, #tpu.memory_space<vmem>>, vector<1x1x16xf32>,
        %parallel_loop3A_610 = vector.shape_cast %parallel_loop3A_609 : vector<1x1x16xf32> to vector<16xf32>
        %parallel_loop3A_611 = arith.addf %parallel_loop3A_604, %parallel_loop3A_610 : vector<16xf32>
        %parallel_loop3A_612 = arith.constant 1 : i32
        %parallel_loop3A_613 = arith.index_cast %parallel_loop3A_612 : i32 to index
        %parallel_loop3A_614 = arith.index_cast %parallel_loop3A_578 : i32 to index
        %parallel_loop3A_615 = arith.constant 16 : index
        %parallel_loop3A_616 = tpu.vector_load %arg10[%parallel_loop3A_613, %parallel_loop3A_614, %parallel_loop3A_615] {strides = array<i32>} : memref<2x128x128xf32, #tpu.memory_space<vmem>>, vector<1x1x16xf32>,
        %parallel_loop3A_617 = vector.shape_cast %parallel_loop3A_616 : vector<1x1x16xf32> to vector<16xf32>
        %parallel_loop3A_618 = vector.shape_cast %parallel_loop3A_611 : vector<16xf32> to vector<1x1x16xf32>
        tpu.vector_store %arg10[%parallel_loop3A_613, %parallel_loop3A_614, %parallel_loop3A_615], %parallel_loop3A_618 {strides = array<i32>} : memref<2x128x128xf32, #tpu.memory_space<vmem>>, vector<1x1x16xf32>,
        %parallel_loop3A_619 = arith.constant 1 : i32
        %parallel_loop3A_620 = arith.index_cast %parallel_loop3A_619 : i32 to index
        %parallel_loop3A_621 = arith.index_cast %parallel_loop3A_578 : i32 to index
        %parallel_loop3A_622 = arith.constant 32 : index
        %parallel_loop3A_623 = tpu.vector_load %arg8[%parallel_loop3A_620, %parallel_loop3A_621, %parallel_loop3A_622] {strides = array<i32>} : memref<2x128x128xf32, #tpu.memory_space<vmem>>, vector<1x1x16xf32>,
        %parallel_loop3A_624 = vector.shape_cast %parallel_loop3A_623 : vector<1x1x16xf32> to vector<16xf32>
        %parallel_loop3A_625 = arith.constant 1 : i32
        %parallel_loop3A_626 = arith.index_cast %parallel_loop3A_625 : i32 to index
        %parallel_loop3A_627 = arith.index_cast %parallel_loop3A_578 : i32 to index
        %parallel_loop3A_628 = arith.constant 32 : index
        %parallel_loop3A_629 = tpu.vector_load %arg9[%parallel_loop3A_626, %parallel_loop3A_627, %parallel_loop3A_628] {strides = array<i32>} : memref<2x128x128xf32, #tpu.memory_space<vmem>>, vector<1x1x16xf32>,
        %parallel_loop3A_630 = vector.shape_cast %parallel_loop3A_629 : vector<1x1x16xf32> to vector<16xf32>
        %parallel_loop3A_631 = arith.addf %parallel_loop3A_624, %parallel_loop3A_630 : vector<16xf32>
        %parallel_loop3A_632 = arith.constant 1 : i32
        %parallel_loop3A_633 = arith.index_cast %parallel_loop3A_632 : i32 to index
        %parallel_loop3A_634 = arith.index_cast %parallel_loop3A_578 : i32 to index
        %parallel_loop3A_635 = arith.constant 32 : index
        %parallel_loop3A_636 = tpu.vector_load %arg10[%parallel_loop3A_633, %parallel_loop3A_634, %parallel_loop3A_635] {strides = array<i32>} : memref<2x128x128xf32, #tpu.memory_space<vmem>>, vector<1x1x16xf32>,
        %parallel_loop3A_637 = vector.shape_cast %parallel_loop3A_636 : vector<1x1x16xf32> to vector<16xf32>
        %parallel_loop3A_638 = vector.shape_cast %parallel_loop3A_631 : vector<16xf32> to vector<1x1x16xf32>
        tpu.vector_store %arg10[%parallel_loop3A_633, %parallel_loop3A_634, %parallel_loop3A_635], %parallel_loop3A_638 {strides = array<i32>} : memref<2x128x128xf32, #tpu.memory_space<vmem>>, vector<1x1x16xf32>,
        %parallel_loop3A_639 = arith.constant 1 : i32
        %parallel_loop3A_640 = arith.index_cast %parallel_loop3A_639 : i32 to index
        %parallel_loop3A_641 = arith.index_cast %parallel_loop3A_578 : i32 to index
        %parallel_loop3A_642 = arith.constant 48 : index
        %parallel_loop3A_643 = tpu.vector_load %arg8[%parallel_loop3A_640, %parallel_loop3A_641, %parallel_loop3A_642] {strides = array<i32>} : memref<2x128x128xf32, #tpu.memory_space<vmem>>, vector<1x1x16xf32>,
        %parallel_loop3A_644 = vector.shape_cast %parallel_loop3A_643 : vector<1x1x16xf32> to vector<16xf32>
        %parallel_loop3A_645 = arith.constant 1 : i32
        %parallel_loop3A_646 = arith.index_cast %parallel_loop3A_645 : i32 to index
        %parallel_loop3A_647 = arith.index_cast %parallel_loop3A_578 : i32 to index
        %parallel_loop3A_648 = arith.constant 48 : index
        %parallel_loop3A_649 = tpu.vector_load %arg9[%parallel_loop3A_646, %parallel_loop3A_647, %parallel_loop3A_648] {strides = array<i32>} : memref<2x128x128xf32, #tpu.memory_space<vmem>>, vector<1x1x16xf32>,
        %parallel_loop3A_650 = vector.shape_cast %parallel_loop3A_649 : vector<1x1x16xf32> to vector<16xf32>
        %parallel_loop3A_651 = arith.addf %parallel_loop3A_644, %parallel_loop3A_650 : vector<16xf32>
        %parallel_loop3A_652 = arith.constant 1 : i32
        %parallel_loop3A_653 = arith.index_cast %parallel_loop3A_652 : i32 to index
        %parallel_loop3A_654 = arith.index_cast %parallel_loop3A_578 : i32 to index
        %parallel_loop3A_655 = arith.constant 48 : index
        %parallel_loop3A_656 = tpu.vector_load %arg10[%parallel_loop3A_653, %parallel_loop3A_654, %parallel_loop3A_655] {strides = array<i32>} : memref<2x128x128xf32, #tpu.memory_space<vmem>>, vector<1x1x16xf32>,
        %parallel_loop3A_657 = vector.shape_cast %parallel_loop3A_656 : vector<1x1x16xf32> to vector<16xf32>
        %parallel_loop3A_658 = vector.shape_cast %parallel_loop3A_651 : vector<16xf32> to vector<1x1x16xf32>
        tpu.vector_store %arg10[%parallel_loop3A_653, %parallel_loop3A_654, %parallel_loop3A_655], %parallel_loop3A_658 {strides = array<i32>} : memref<2x128x128xf32, #tpu.memory_space<vmem>>, vector<1x1x16xf32>,
        %parallel_loop3A_659 = arith.constant 1 : i32
        %parallel_loop3A_660 = arith.index_cast %parallel_loop3A_659 : i32 to index
        %parallel_loop3A_661 = arith.index_cast %parallel_loop3A_578 : i32 to index
        %parallel_loop3A_662 = arith.constant 64 : index
        %parallel_loop3A_663 = tpu.vector_load %arg8[%parallel_loop3A_660, %parallel_loop3A_661, %parallel_loop3A_662] {strides = array<i32>} : memref<2x128x128xf32, #tpu.memory_space<vmem>>, vector<1x1x16xf32>,
        %parallel_loop3A_664 = vector.shape_cast %parallel_loop3A_663 : vector<1x1x16xf32> to vector<16xf32>
        %parallel_loop3A_665 = arith.constant 1 : i32
        %parallel_loop3A_666 = arith.index_cast %parallel_loop3A_665 : i32 to index
        %parallel_loop3A_667 = arith.index_cast %parallel_loop3A_578 : i32 to index
        %parallel_loop3A_668 = arith.constant 64 : index
        %parallel_loop3A_669 = tpu.vector_load %arg9[%parallel_loop3A_666, %parallel_loop3A_667, %parallel_loop3A_668] {strides = array<i32>} : memref<2x128x128xf32, #tpu.memory_space<vmem>>, vector<1x1x16xf32>,
        %parallel_loop3A_670 = vector.shape_cast %parallel_loop3A_669 : vector<1x1x16xf32> to vector<16xf32>
        %parallel_loop3A_671 = arith.addf %parallel_loop3A_664, %parallel_loop3A_670 : vector<16xf32>
        %parallel_loop3A_672 = arith.constant 1 : i32
        %parallel_loop3A_673 = arith.index_cast %parallel_loop3A_672 : i32 to index
        %parallel_loop3A_674 = arith.index_cast %parallel_loop3A_578 : i32 to index
        %parallel_loop3A_675 = arith.constant 64 : index
        %parallel_loop3A_676 = tpu.vector_load %arg10[%parallel_loop3A_673, %parallel_loop3A_674, %parallel_loop3A_675] {strides = array<i32>} : memref<2x128x128xf32, #tpu.memory_space<vmem>>, vector<1x1x16xf32>,
        %parallel_loop3A_677 = vector.shape_cast %parallel_loop3A_676 : vector<1x1x16xf32> to vector<16xf32>
        %parallel_loop3A_678 = vector.shape_cast %parallel_loop3A_671 : vector<16xf32> to vector<1x1x16xf32>
        tpu.vector_store %arg10[%parallel_loop3A_673, %parallel_loop3A_674, %parallel_loop3A_675], %parallel_loop3A_678 {strides = array<i32>} : memref<2x128x128xf32, #tpu.memory_space<vmem>>, vector<1x1x16xf32>,
        %parallel_loop3A_679 = arith.constant 1 : i32
        %parallel_loop3A_680 = arith.index_cast %parallel_loop3A_679 : i32 to index
        %parallel_loop3A_681 = arith.index_cast %parallel_loop3A_578 : i32 to index
        %parallel_loop3A_682 = arith.constant 80 : index
        %parallel_loop3A_683 = tpu.vector_load %arg8[%parallel_loop3A_680, %parallel_loop3A_681, %parallel_loop3A_682] {strides = array<i32>} : memref<2x128x128xf32, #tpu.memory_space<vmem>>, vector<1x1x16xf32>,
        %parallel_loop3A_684 = vector.shape_cast %parallel_loop3A_683 : vector<1x1x16xf32> to vector<16xf32>
        %parallel_loop3A_685 = arith.constant 1 : i32
        %parallel_loop3A_686 = arith.index_cast %parallel_loop3A_685 : i32 to index
        %parallel_loop3A_687 = arith.index_cast %parallel_loop3A_578 : i32 to index
        %parallel_loop3A_688 = arith.constant 80 : index
        %parallel_loop3A_689 = tpu.vector_load %arg9[%parallel_loop3A_686, %parallel_loop3A_687, %parallel_loop3A_688] {strides = array<i32>} : memref<2x128x128xf32, #tpu.memory_space<vmem>>, vector<1x1x16xf32>,
        %parallel_loop3A_690 = vector.shape_cast %parallel_loop3A_689 : vector<1x1x16xf32> to vector<16xf32>
        %parallel_loop3A_691 = arith.addf %parallel_loop3A_684, %parallel_loop3A_690 : vector<16xf32>
        %parallel_loop3A_692 = arith.constant 1 : i32
        %parallel_loop3A_693 = arith.index_cast %parallel_loop3A_692 : i32 to index
        %parallel_loop3A_694 = arith.index_cast %parallel_loop3A_578 : i32 to index
        %parallel_loop3A_695 = arith.constant 80 : index
        %parallel_loop3A_696 = tpu.vector_load %arg10[%parallel_loop3A_693, %parallel_loop3A_694, %parallel_loop3A_695] {strides = array<i32>} : memref<2x128x128xf32, #tpu.memory_space<vmem>>, vector<1x1x16xf32>,
        %parallel_loop3A_697 = vector.shape_cast %parallel_loop3A_696 : vector<1x1x16xf32> to vector<16xf32>
        %parallel_loop3A_698 = vector.shape_cast %parallel_loop3A_691 : vector<16xf32> to vector<1x1x16xf32>
        tpu.vector_store %arg10[%parallel_loop3A_693, %parallel_loop3A_694, %parallel_loop3A_695], %parallel_loop3A_698 {strides = array<i32>} : memref<2x128x128xf32, #tpu.memory_space<vmem>>, vector<1x1x16xf32>,
        %parallel_loop3A_699 = arith.constant 1 : i32
        %parallel_loop3A_700 = arith.index_cast %parallel_loop3A_699 : i32 to index
        %parallel_loop3A_701 = arith.index_cast %parallel_loop3A_578 : i32 to index
        %parallel_loop3A_702 = arith.constant 96 : index
        %parallel_loop3A_703 = tpu.vector_load %arg8[%parallel_loop3A_700, %parallel_loop3A_701, %parallel_loop3A_702] {strides = array<i32>} : memref<2x128x128xf32, #tpu.memory_space<vmem>>, vector<1x1x16xf32>,
        %parallel_loop3A_704 = vector.shape_cast %parallel_loop3A_703 : vector<1x1x16xf32> to vector<16xf32>
        %parallel_loop3A_705 = arith.constant 1 : i32
        %parallel_loop3A_706 = arith.index_cast %parallel_loop3A_705 : i32 to index
        %parallel_loop3A_707 = arith.index_cast %parallel_loop3A_578 : i32 to index
        %parallel_loop3A_708 = arith.constant 96 : index
        %parallel_loop3A_709 = tpu.vector_load %arg9[%parallel_loop3A_706, %parallel_loop3A_707, %parallel_loop3A_708] {strides = array<i32>} : memref<2x128x128xf32, #tpu.memory_space<vmem>>, vector<1x1x16xf32>,
        %parallel_loop3A_710 = vector.shape_cast %parallel_loop3A_709 : vector<1x1x16xf32> to vector<16xf32>
        %parallel_loop3A_711 = arith.addf %parallel_loop3A_704, %parallel_loop3A_710 : vector<16xf32>
        %parallel_loop3A_712 = arith.constant 1 : i32
        %parallel_loop3A_713 = arith.index_cast %parallel_loop3A_712 : i32 to index
        %parallel_loop3A_714 = arith.index_cast %parallel_loop3A_578 : i32 to index
        %parallel_loop3A_715 = arith.constant 96 : index
        %parallel_loop3A_716 = tpu.vector_load %arg10[%parallel_loop3A_713, %parallel_loop3A_714, %parallel_loop3A_715] {strides = array<i32>} : memref<2x128x128xf32, #tpu.memory_space<vmem>>, vector<1x1x16xf32>,
        %parallel_loop3A_717 = vector.shape_cast %parallel_loop3A_716 : vector<1x1x16xf32> to vector<16xf32>
        %parallel_loop3A_718 = vector.shape_cast %parallel_loop3A_711 : vector<16xf32> to vector<1x1x16xf32>
        tpu.vector_store %arg10[%parallel_loop3A_713, %parallel_loop3A_714, %parallel_loop3A_715], %parallel_loop3A_718 {strides = array<i32>} : memref<2x128x128xf32, #tpu.memory_space<vmem>>, vector<1x1x16xf32>,
        %parallel_loop3A_719 = arith.constant 1 : i32
        %parallel_loop3A_720 = arith.index_cast %parallel_loop3A_719 : i32 to index
        %parallel_loop3A_721 = arith.index_cast %parallel_loop3A_578 : i32 to index
        %parallel_loop3A_722 = arith.constant 112 : index
        %parallel_loop3A_723 = tpu.vector_load %arg8[%parallel_loop3A_720, %parallel_loop3A_721, %parallel_loop3A_722] {strides = array<i32>} : memref<2x128x128xf32, #tpu.memory_space<vmem>>, vector<1x1x16xf32>,
        %parallel_loop3A_724 = vector.shape_cast %parallel_loop3A_723 : vector<1x1x16xf32> to vector<16xf32>
        %parallel_loop3A_725 = arith.constant 1 : i32
        %parallel_loop3A_726 = arith.index_cast %parallel_loop3A_725 : i32 to index
        %parallel_loop3A_727 = arith.index_cast %parallel_loop3A_578 : i32 to index
        %parallel_loop3A_728 = arith.constant 112 : index
        %parallel_loop3A_729 = tpu.vector_load %arg9[%parallel_loop3A_726, %parallel_loop3A_727, %parallel_loop3A_728] {strides = array<i32>} : memref<2x128x128xf32, #tpu.memory_space<vmem>>, vector<1x1x16xf32>,
        %parallel_loop3A_730 = vector.shape_cast %parallel_loop3A_729 : vector<1x1x16xf32> to vector<16xf32>
        %parallel_loop3A_731 = arith.addf %parallel_loop3A_724, %parallel_loop3A_730 : vector<16xf32>
        %parallel_loop3A_732 = arith.constant 1 : i32
        %parallel_loop3A_733 = arith.index_cast %parallel_loop3A_732 : i32 to index
        %parallel_loop3A_734 = arith.index_cast %parallel_loop3A_578 : i32 to index
        %parallel_loop3A_735 = arith.constant 112 : index
        %parallel_loop3A_736 = tpu.vector_load %arg10[%parallel_loop3A_733, %parallel_loop3A_734, %parallel_loop3A_735] {strides = array<i32>} : memref<2x128x128xf32, #tpu.memory_space<vmem>>, vector<1x1x16xf32>,
        %parallel_loop3A_737 = vector.shape_cast %parallel_loop3A_736 : vector<1x1x16xf32> to vector<16xf32>
        %parallel_loop3A_738 = vector.shape_cast %parallel_loop3A_731 : vector<16xf32> to vector<1x1x16xf32>
        tpu.vector_store %arg10[%parallel_loop3A_733, %parallel_loop3A_734, %parallel_loop3A_735], %parallel_loop3A_738 {strides = array<i32>} : memref<2x128x128xf32, #tpu.memory_space<vmem>>, vector<1x1x16xf32>,
      } {sc.loop_unroll_factor = 1 : i64, sc.parallel_access}
      %mul3A_561 = arith.constant 128 : i32
      %mul3A_562 = arith.muli %add3A_557, %mul3A_561 : i32
      %add3A_563 = arith.addi %mul3A_2, %mul3A_562 : i32
      %dma_start3A_564 = arith.constant 1 : i32
      %dma_start3A_565 = arith.constant 0 : i32
      %dma_start3A_566 = arith.constant 0 : i32
      %dma_start3A_567 = tpu.memref_slice %arg10[%dma_start3A_564, %dma_start3A_565, %dma_start3A_566] : memref<2x128x128xf32, #tpu.memory_space<vmem>> -> memref<1x128x128xf32, #tpu.memory_space<vmem>>
      %dma_start3A_568 = tpu.memref_squeeze %dma_start3A_567 : memref<1x128x128xf32, #tpu.memory_space<vmem>> -> memref<128x128xf32, #tpu.memory_space<vmem>>
      %dma_start3A_569 = arith.constant 0 : i32
      %dma_start3A_570 = tpu.memref_slice %arg5[%add3A_563, %dma_start3A_569] : memref<204800x128xf32, #tpu.memory_space<hbm>> -> memref<128x128xf32, #tpu.memory_space<hbm>>
      %dma_start3A_571 = arith.constant 0 : i32
      %dma_start3A_572 = tpu.memref_slice %arg5[%add3A_563, %dma_start3A_571] : memref<204800x128xf32, #tpu.memory_space<hbm>> -> memref<128x128xf32, #tpu.memory_space<hbm>>
      %dma_start3A_573 = arith.constant 0 : i32
      %dma_start3A_574 = arith.constant 0 : i32
      %dma_start3A_575 = tpu.memref_slice %arg10[%dma_start3A_564, %dma_start3A_573, %dma_start3A_574] : memref<2x128x128xf32, #tpu.memory_space<vmem>> -> memref<1x128x128xf32, #tpu.memory_space<vmem>>
      %dma_start3A_576 = tpu.memref_squeeze %dma_start3A_575 : memref<1x128x128xf32, #tpu.memory_space<vmem>> -> memref<128x128xf32, #tpu.memory_space<vmem>>
      tpu.enqueue_dma source(%dma_start3A_576 : memref<128x128xf32, #tpu.memory_space<vmem>>) target(%dma_start3A_572 : memref<128x128xf32, #tpu.memory_space<hbm>>) target_semaphore(%arg14 : memref<!tpu.dma_semaphore, #tpu.memory_space<semaphore_mem>>)
      %scan3A_577 = arith.constant 0 : i32
      scf.yield %scan3A_577 : i32
    }
    %scan3A_229 = arith.constant 25 : i32
    %dma_wait3A_230 = arith.constant 0 : i32
    %dma_wait3A_231 = arith.constant 0 : i32
    %dma_wait3A_232 = arith.constant 0 : i32
    %dma_wait3A_233 = tpu.memref_slice %arg10[%dma_wait3A_230, %dma_wait3A_231, %dma_wait3A_232] : memref<2x128x128xf32, #tpu.memory_space<vmem>> -> memref<1x128x128xf32, #tpu.memory_space<vmem>>
    %dma_wait3A_234 = tpu.memref_squeeze %dma_wait3A_233 : memref<1x128x128xf32, #tpu.memory_space<vmem>> -> memref<128x128xf32, #tpu.memory_space<vmem>>
    %dma_wait3A_235 = arith.constant 0 : i32
    %dma_wait3A_236 = tpu.memref_slice %arg5[%mul3A_2, %dma_wait3A_235] : memref<204800x128xf32, #tpu.memory_space<hbm>> -> memref<128x128xf32, #tpu.memory_space<hbm>>
    %dma_wait3A_237 = arith.constant 0 : i32
    %dma_wait3A_238 = tpu.memref_slice %arg5[%mul3A_2, %dma_wait3A_237] : memref<204800x128xf32, #tpu.memory_space<hbm>> -> memref<128x128xf32, #tpu.memory_space<hbm>>
    %dma_wait3A_239 = arith.constant 0 : i32
    %dma_wait3A_240 = arith.constant 0 : i32
    %dma_wait3A_241 = tpu.memref_slice %arg10[%dma_wait3A_230, %dma_wait3A_239, %dma_wait3A_240] : memref<2x128x128xf32, #tpu.memory_space<vmem>> -> memref<1x128x128xf32, #tpu.memory_space<vmem>>
    %dma_wait3A_242 = tpu.memref_squeeze %dma_wait3A_241 : memref<1x128x128xf32, #tpu.memory_space<vmem>> -> memref<128x128xf32, #tpu.memory_space<vmem>>
    tpu.wait_dma2 semaphore(%arg13 : memref<!tpu.dma_semaphore, #tpu.memory_space<semaphore_mem>>) src(%dma_wait3A_242 : memref<128x128xf32, #tpu.memory_space<vmem>>) dst(%dma_wait3A_238 : memref<128x128xf32, #tpu.memory_space<hbm>>)
    %dma_wait3A_243 = arith.constant 1 : i32
    %dma_wait3A_244 = arith.constant 0 : i32
    %dma_wait3A_245 = arith.constant 0 : i32
    %dma_wait3A_246 = tpu.memref_slice %arg10[%dma_wait3A_243, %dma_wait3A_244, %dma_wait3A_245] : memref<2x128x128xf32, #tpu.memory_space<vmem>> -> memref<1x128x128xf32, #tpu.memory_space<vmem>>
    %dma_wait3A_247 = tpu.memref_squeeze %dma_wait3A_246 : memref<1x128x128xf32, #tpu.memory_space<vmem>> -> memref<128x128xf32, #tpu.memory_space<vmem>>
    %dma_wait3A_248 = arith.constant 0 : i32
    %dma_wait3A_249 = tpu.memref_slice %arg5[%mul3A_2, %dma_wait3A_248] : memref<204800x128xf32, #tpu.memory_space<hbm>> -> memref<128x128xf32, #tpu.memory_space<hbm>>
    %dma_wait3A_250 = arith.constant 0 : i32
    %dma_wait3A_251 = tpu.memref_slice %arg5[%mul3A_2, %dma_wait3A_250] : memref<204800x128xf32, #tpu.memory_space<hbm>> -> memref<128x128xf32, #tpu.memory_space<hbm>>
    %dma_wait3A_252 = arith.constant 0 : i32
    %dma_wait3A_253 = arith.constant 0 : i32
    %dma_wait3A_254 = tpu.memref_slice %arg10[%dma_wait3A_243, %dma_wait3A_252, %dma_wait3A_253] : memref<2x128x128xf32, #tpu.memory_space<vmem>> -> memref<1x128x128xf32, #tpu.memory_space<vmem>>
    %dma_wait3A_255 = tpu.memref_squeeze %dma_wait3A_254 : memref<1x128x128xf32, #tpu.memory_space<vmem>> -> memref<128x128xf32, #tpu.memory_space<vmem>>
    tpu.wait_dma2 semaphore(%arg14 : memref<!tpu.dma_semaphore, #tpu.memory_space<semaphore_mem>>) src(%dma_wait3A_255 : memref<128x128xf32, #tpu.memory_space<vmem>>) dst(%dma_wait3A_251 : memref<128x128xf32, #tpu.memory_space<hbm>>)
    return
  }
}

module attributes {stable_mosaic.version = 14 : i64} {
  func.func @_comb_body(%arg0: memref<513x128xf32, #tpu.memory_space<vmem>>, %arg1: memref<16x128xf32, #tpu.memory_space<vmem>>, %arg2: memref<513x16x128xf32, #tpu.memory_space<vmem>>) attributes {dimension_semantics = [], scalar_prefetch = 0 : i64, scratch_operands = 0 : i64, tpu.core_type = #tpu.core_type<tc>} {
    %get3A = arith.constant 0 : index
    %get3A_0 = arith.constant 0 : index
    %get3A_1 = vector.load %arg0[%get3A, %get3A_0] : memref<513x128xf32, #tpu.memory_space<vmem>>, vector<513x128xf32>
    %get3A_2 = arith.constant 0 : index
    %get3A_3 = arith.constant 0 : index
    %get3A_4 = vector.load %arg1[%get3A_2, %get3A_3] : memref<16x128xf32, #tpu.memory_space<vmem>>, vector<16x128xf32>
    %broadcast_in_dim3A = vector.shape_cast %get3A_1 : vector<513x128xf32> to vector<513x1x128xf32>
    %broadcast_in_dim3A_5 = vector.shape_cast %get3A_4 : vector<16x128xf32> to vector<1x16x128xf32>
    %add3A = vector.broadcast %broadcast_in_dim3A : vector<513x1x128xf32> to vector<513x16x128xf32>
    %add3A_6 = vector.broadcast %broadcast_in_dim3A_5 : vector<1x16x128xf32> to vector<513x16x128xf32>
    %add3A_7 = arith.addf %add3A, %add3A_6 : vector<513x16x128xf32>
    %swap3A = arith.constant 0 : index
    %swap3A_8 = arith.constant 0 : index
    %swap3A_9 = arith.constant 0 : index
    %swap3A_10 = vector.load %arg2[%swap3A, %swap3A_8, %swap3A_9] : memref<513x16x128xf32, #tpu.memory_space<vmem>>, vector<513x16x128xf32>
    tpu.vector_store %arg2[%swap3A, %swap3A_8, %swap3A_9], %add3A_7 {strides = array<i32>} : memref<513x16x128xf32, #tpu.memory_space<vmem>>, vector<513x16x128xf32>,
    return
  }
}

</mosaic_0001>

<sc_bundles>
// kernel: kernel.4.cloned.1.call-start
scs
__scs_entry_jumppad:
0x0: {  	(pc) =	sbr.rel $0x88, $3  }
0x1: {  	(tag) =	ssettag $0x0;
	lr =	simm.s32 $0x1  }
0x2: {  	[smem:$0x3F9B] =	sst lr;
	_ =	strace $0xD0000000  }
0x3: {  	_ = 	snop  }
0x4: {  	_ = 	snop  }
0x5: {  	_ = 	snop  }
0x6: {  	_ = 	snop  }
0x7: {  	_ = 	snop  }
__scs_overlays_trampoline_lowered:
0x8: {  	[smem:$0x3FAA] =	sst s0  }
0x9: {  	[smem:$0x3FAB] =	sst s1  }
0xa: {  	[smem:$0x3FAC] =	sst s2  }
0xb: {  	[smem:$0x3FAD] =	sst s3  }
0xc: {  	[smem:$0x3FAE] =	sst s4  }
0xd: {  	[smem:$0x3FAF] =	sst s5  }
0xe: {  	[smem:$0x3FB0] =	sst s6  }
0xf: {  	[smem:$0x3FB1] =	sst s7  }
0x10: {  	[smem:$0x3FB2] =	sst s8  }
0x11: {  	[smem:$0x3FB3] =	sst s9;
	s0 =	simm.s32 @!p0 $0x0  }
0x12: {  	s1 =	sld [smem:$0x3F99];
	s0 =	simm.s32 @p0 $0x1  }
0x13: {  	[smem:$0x3FB4] =	sst s0;
	s0 =	simm.s32 @!p1 $0x0  }
0x14: {  	s2 =	sld [smem:$0x3F98];
	s0 =	simm.s32 @p1 $0x1  }
0x15: {  	[smem:$0x3FB5] =	sst s0;
	s0 =	simm.s32 @!p2 $0x0  }
0x16: {  	s3 =	sld [smem:$0x3FDB];
	s0 =	simm.s32 @p2 $0x1  }
0x17: {  	s4 =	simm.s32 $0x1BF5;
	[smem:$0x3FB7] =	sst s0  }
0x18: {  	s0 =	sld [smem:$0x3F9A];
	_ =	swait.ge [sflag:s4], $0x0  }
0x19: {  	s7 =	sld [smem:$0x3F9B]  }
0x1a: {  	s8 =	sadd.s32 $0xFFFFE003, lr  }
0x1b: {  	s9 =	sadd.s32 $0xFFFFFEF7, lr;
	s5 =	simm.s32 $0xFFFFFFFF;
	p2 =	slt.u32 s8, $0xFFFFF086  }
0x1c: {  	p1 =	slt.u32 s9, $0xF7A;
	s5 =	simm.s32 @!p2 $0x0  }
0x1d: {  	s5 =	simm.s32 @p1 $0x1;
	p0 =	seq.s32 s7, s2  }
0x1e: {  	s7 =	smul.u32 @!p0 $0xF7A, s2;
	p2 =	seq.s32 @!p0 s5, $0x0  }
0x1f: {  	s9 =	smul.u32 $0xF7A, s1;
	s8 =	simm.s32 @!p0 $0x1BF5;
	p2 =	por !p2, p0  }
0x20: {  	[sflag:s8] =	ssyncset.s32 @!p0 $0xFFFFF086;
	s6 =	sadd.s32 @!p0 s3, s7;
	s7 =	simm.s32 @!p0 $0x108  }
0x21: {  	s3 =	sadd.s32 s3, s9;
	s6 =	sadd.s32 @!p0 $0x88, s6;
	s7 =	simm.s32 @p2 $0x1082  }
0x22: {  	[simem:s7], [sflag:s8] =	dma.local @!p0 [hbm:s6], $0xF7A  }
0x23: {  	s9 =	sor.u32 $0xD0000000, s2;
	s6 =	simm.s32 $0x108;
	_ =	swait.ge @!p0 [sflag:s8], $0x0  }
0x24: {  	s3 =	sadd.s32 $0x88, s3;
	s6 =	simm.s32 @!p1 $0x1082;
	[sflag:s4] =	ssyncset.s32 $0xFFFFF086  }
0x25: {  	[simem:s6], [sflag:s4] =	dma.local [hbm:s3], $0xF7A  }
0x26: {  	[smem:$0x3F9B] =	sst s1;
	(tag) =	ssettag s2;
	_ =	strace s9  }
0x27: {  	s1 =	sld [smem:$0x3FAB]  }
0x28: {  	s2 =	sld [smem:$0x3FAC]  }
0x29: {  	s4 =	sld [smem:$0x3FAE]  }
0x2a: {  	p0 =	seq.s32 s5, $0x0;
	s5 =	sld [smem:$0x3FAF]  }
0x2b: {  	s6 =	sld [smem:$0x3FB0]  }
0x2c: {  	s7 =	sld [smem:$0x3FB1]  }
0x2d: {  	s3 =	simm.s32 $0x108;
	s8 =	sld [smem:$0x3FB2]  }
0x2e: {  	s3 =	simm.s32 @!p0 $0x1082;
	s9 =	sld [smem:$0x3FB3]  }
0x2f: {  	lr =	sadd.s32 s0, s3;
	s0 =	sld [smem:$0x3FAA]  }
0x30: {  	s3 =	sld [smem:$0x3FAD]  }
0x31: {  	[smem:$0x3FB6] =	sst s10  }
0x32: {  	s10 =	sld [smem:$0x3FB4];
	_ =	sdelay $0x3  }
0x33: {  	p0 =	seq.s32 s10, $0x1;
	s10 =	sld [smem:$0x3FB6];
	_ =	sdelay $0x3  }
0x34: {  	[smem:$0x3FB6] =	sst s10  }
0x35: {  	s10 =	sld [smem:$0x3FB5];
	_ =	sdelay $0x3  }
0x36: {  	p1 =	seq.s32 s10, $0x1;
	s10 =	sld [smem:$0x3FB6];
	_ =	sdelay $0x3  }
0x37: {  	[smem:$0x3FB6] =	sst s10  }
0x38: {  	s10 =	sld [smem:$0x3FB7]  }
0x39: {  	_ = 	snop;
	(pc) =	sbr.ind lr, $3  }
0x3a: {  	_ = 	snop  }
0x3b: {  	_ = 	snop  }
0x3c: {  	p2 =	seq.s32 s10, $0x1;
	s10 =	sld [smem:$0x3FB6]  }
0x3d: {  	_ =	shalt  }
0x3e: {  	_ =	shalt  }
0x3f: {  	_ =	shalt  }
0x40: {  	_ =	shalt  }
0x41: {  	_ =	shalt  }
0x42: {  	_ =	shalt  }
0x43: {  	_ =	shalt  }
0x44: {  	_ =	shalt  }
0x45: {  	_ =	shalt  }
0x46: {  	_ =	shalt  }
0x47: {  	_ =	shalt  }
0x48: {  	_ =	shalt  }
0x49: {  	_ =	shalt  }
0x4a: {  	_ =	shalt  }
0x4b: {  	_ =	shalt  }
0x4c: {  	_ =	shalt  }
0x4d: {  	_ =	shalt  }
0x4e: {  	_ =	shalt  }
0x4f: {  	_ =	shalt  }
0x50: {  	_ =	shalt  }
0x51: {  	_ =	shalt  }
0x52: {  	_ =	shalt  }
0x53: {  	_ =	shalt  }
0x54: {  	_ =	shalt  }
0x55: {  	_ =	shalt  }
0x56: {  	_ =	shalt  }
0x57: {  	_ =	shalt  }
0x58: {  	_ =	shalt  }
0x59: {  	_ =	shalt  }
0x5a: {  	_ =	shalt  }
0x5b: {  	_ =	shalt  }
0x5c: {  	_ =	shalt  }
0x5d: {  	_ =	shalt  }
0x5e: {  	_ =	shalt  }
0x5f: {  	_ =	shalt  }
0x60: {  	_ =	shalt  }
0x61: {  	_ =	shalt  }
0x62: {  	_ =	shalt  }
0x63: {  	_ =	shalt  }
0x64: {  	_ =	shalt  }
0x65: {  	_ =	shalt  }
0x66: {  	_ =	shalt  }
0x67: {  	_ =	shalt  }
0x68: {  	_ =	shalt  }
0x69: {  	_ =	shalt  }
0x6a: {  	_ =	shalt  }
0x6b: {  	_ =	shalt  }
0x6c: {  	_ =	shalt  }
0x6d: {  	_ =	shalt  }
0x6e: {  	_ =	shalt  }
0x6f: {  	_ =	shalt  }
0x70: {  	_ =	shalt  }
0x71: {  	_ =	shalt  }
0x72: {  	_ =	shalt  }
0x73: {  	_ =	shalt  }
0x74: {  	_ =	shalt  }
0x75: {  	_ =	shalt  }
0x76: {  	_ =	shalt  }
0x77: {  	_ =	shalt  }
0x78: {  	_ =	shalt  }
0x79: {  	_ =	shalt  }
0x7a: {  	_ =	shalt  }
0x7b: {  	_ =	shalt  }
0x7c: {  	_ =	shalt  }
0x7d: {  	_ =	shalt  }
0x7e: {  	_ =	shalt  }
0x7f: {  	_ =	shalt  }
0x80: {  	_ =	shalt  }
0x81: {  	_ =	shalt  }
0x82: {  	_ =	shalt  }
0x83: {  	_ =	shalt  }
0x84: {  	_ =	shalt  }
0x85: {  	_ =	shalt  }
0x86: {  	_ =	shalt  }
0x87: {  	_ =	shalt  }
.Lfunc_end0:
.L_simem_size_0:
called_computation_lowered:
.L_overlay_start_0:
0x88: {  	s2 =	sld [smem:$0x3FD9]  }
0x89: {  	s3 =	sld [smem:$0x3FFE];
	_ =	sdelay $0x1  }
0x8a: {  	s1 =	srdreg.scid  }
0x8b: {  	s0 =	sand.u32 $0x1, s1  }
0x8c: {  	s17 =	sshll.u32 s0, $0xA;
	s2 =	sadd.s32 s3, s2  }
0x8d: {  	s2 =	sadd.s32 s2, s17  }
0x8e: {  	[smem:$0x3FC2] =	sst s2  }
0x8f: {  	_ = 	snop  }
0x90: {  	s2 =	sld [smem:$0x3FC6]  }
0x91: {  	s18 =	sld [smem:$0x3FD0];
	(tm) =	ssettm $0x1  }
0x92: {  	s4 =	sld [smem:$0x3FFB];
	_ =	sdelay $0x3  }
0x93: {  	_ =	strace s4  }
0x94: {  	s4 =	sld [smem:$0x3FFC];
	_ =	sdelay $0x3  }
0x95: {  	_ =	strace s4  }
0x96: {  	s4 =	sld [smem:$0x3FFD];
	_ =	sdelay $0x3  }
0x97: {  	_ =	strace s4  }
0x98: {  	_ =	strace $0x8FFFFFFF  }
0x99: {  	s19 =	sld [smem:$0x3FDB];
	_ =	sdelay $0x1  }
0x9a: {  	s5 =	simm.s32 $_scs_section_size  }
0x9b: {  	s6 =	simm.s32 $_size__tile_overlayer_lowered;
	s7 =	simm.s32 $_tile_overlayer_lowered  }
0x9c: {  	s22 =	simm.s32 $0x1BFF;
	s21 =	sshll.u32 s7, $0x1;
	s4 =	sadd.s32 s5, s19  }
0x9d: {  	s8 =	simm.s32 $0x0;
	s20 =	sshll.u32 s6, $0x1;
	s6 =	sadd.s32 s21, s4  }
0x9e: {  	[timem:s8], [sflag:s22] =	dma.local [hbm:s6], s20  }
0x9f: {  	_ =	swait.ge [sflag:s22], s20  }
0xa0: {  	s5 =	ssub.s32 $0x0, s20;
	[sflag:s22] =	ssyncset.done $0x0  }
0xa1: {  	[sflag:s22] =	ssyncadd.s32 s5;
	_ =	sdelay $0x1  }
0xa2: {  	s23 =	simm.s32 $0x1B8B  }
0xa3: {  	_ =	swait.ge [sflag:s23], $0x1  }
0xa4: {  	[sflag:s23] =	ssyncset.done $0x0  }
0xa5: {  	s25 =	simm.s32 $0x1B8E;
	s24 =	sld [smem:$0x3FFE];
	[sflag:s23] =	ssyncadd.s32 $0xFFFFFFFF  }
0xa6: {  	s26 =	simm.s32 $execute0_lowered;
	[smem:$0x3FD2] =	sst s25  }
0xa7: {  	s6 =	sshll.u32 s26, $0x1;
	_ =	strace $0x80000046;
	[dreg:$0x1] =	wrdreg $0xFFFFFFFF  }
0xa8: {  	s28 =	simm.s32 $_size_execute0_lowered;
	s4 =	sadd.s32 s4, s6;
	[dreg:$0x0] =	wrdreg $0x0  }
0xa9: {  	s6 =	sshll.u32 s28, $0x1;
	[dreg:$0x2] =	wrdreg s4  }
0xaa: {  	[dreg:$0x3] =	wrdreg s6  }
0xab: {  	[dreg:$0x4] =	wrdreg $0xC0  }
0xac: {  	_ =	task [dreg:s8], $0x5FFFF  }
0xad: {  	[dreg:$0x1] =	wrdreg $0xFFFFFFFF  }
0xae: {  	[dreg:$0x0] =	wrdreg $0x60  }
0xaf: {  	[dreg:$0x2] =	wrdreg s24  }
0xb0: {  	[dreg:$0x3] =	wrdreg s2  }
0xb1: {  	[dreg:$0x4] =	wrdreg s18  }
0xb2: {  	[dreg:$0x5] =	wrdreg $0x9  }
0xb3: {  	_ =	task.clear_ibuf [dreg:s8], $0x6FFFF;
	_ =	strace $0x90000046  }
0xb4: {  	s29 =	simm.s32 $0x9;
	_ =	strace $0x80000048  }
0xb5: {  	_ =	swait.ge [sflag:s29], $0x1  }
0xb6: {  	[sflag:s29] =	ssyncadd.s32 $0xFFFFFFFF  }
0xb7: {  	_ =	strace $0x90000048  }
0xb8: {  	_ =	sfence  }
0xb9: {  	s30 =	sld [smem:$0x0];
	_ =	sdelay $0x2  }
0xba: {  	s31 =	sshll.u32 s1, $0xD;
	s1 =	sshrl.u32 s1, $0x2  }
0xbb: {  	s3 =	sand.u32 $0x4000, s31;
	s1 =	sadd.s32 s1, s30  }
0xbc: {  	s0 =	sor.u32 s3, s0;
	s1 =	sshll.u32 s1, $0x11  }
0xbd: {  	s0 =	sor.u32 s1, s0  }
0xbe: {  	s0 =	sadd.s32 $0x8F2B, s0  }
0xbf: {  	[sflag:s0] =	ssyncadd.remote.s32 $0x1  }
0xc0: {  	_ =	sfence.sel $0xFFFF  }
0xc1: {  	[dreg:$0x0] =	wrdreg $0xFFFFFFFF;
	(pc) =	sbr.abs _section_cstart, $3  }
0xc2: {  	[dreg:$0x1] =	wrdreg $0xFFFFFFFF  }
0xc3: {  	_ =	task.clear_ibuf [dreg:s8], $0x2FFFF;
	_ =	strace $0x9FFFFFFF  }
0xc4: {  	(tm) =	ssettm $0x7FFFFFFF  }
0xc5: {  	_ =	shalt  }
tec
execute0_lowered:
.L_overlay_start_1:
0x0: {  	(tag) =	ssettag $0x1  }
0x1: {  	s0 =	rddreg [dreg:$0x0]  }
0x2: {  	s2 =	rddreg [dreg:$0x1]  }
0x3: {  	s3 =	rddreg [dreg:$0x2];
	s1 =	srdreg.scid  }
0x4: {  	s5 =	stileid.u32;
	s4 =	simm.s32 $0x0;
	s28 =	simm.s32 $0x6  }
0x5: {  	s29 =	simm.s32 $0x4400;
	s1 =	sand.u32 $0x1, s1;
	s5 =	sshll.u32 s5, $0x1  }
0x6: {  	s30 =	simm.s32 $0x380;
	s31 =	simm.s32 $0xC400;
	s7 =	sor.u32 s1, s5  }
0x7: {  	s13 =	simm.s32 $0x0;
	[smem:$0x7FF] =	sst s4;
	s8 =	smul.u32 $0x4B00, s7  }
0x8: {  	s6 =	sadd.s32 $0x13A00, s0;
	s18 =	ssub.s32 $0x2, s1;
	s9 =	smul.u32 $0x960, s7  }
0x9: {  	_ =	strace $0x80000047;
	s1 =	sshrl.u32 s18, $0x1;
	s19 =	smul.u32 $0x32, s7  }
0xa: {  	s5 =	sadd.s32 $0xE00, s0;
	s21 =	smul.u32 $0x19000, s7;
	s0 =	ssub.s32 s18, s1  }
0xb: {  	s1 =	simm.s32 $0x10400;
	s18 =	simm.s32 $0x2;
	s8 =	sshrl.u32 s8, $0x3  }
0xc: {  	s12 =	sadd.s32 s5, s9;
	s9 =	smul.u32 $0xC8000, s7;
	s10 =	sadd.s32 $0x2, s19  }
0xd: {  	s11 =	sadd.s32 $0x3, s19;
	s0 =	smax.u32 s0, $0x1;
	s26 =	sadd.s32 s21, s3  }
0xe: {  	s21 =	simm.s32 $0x180;
	s19 =	simm.s32 $0x14400;
	[dreg:$0x6] =	wrdreg s0  }
0xf: {  	s8 =	sadd.s32 s5, s8;
	s22 =	sadd.s32 $0x10, s12;
	[dreg:$0x4] =	wrdreg s12  }
0x10: {  	s23 =	sadd.s32 $0x20, s12;
	s17 =	sadd.s32 $0x800, s26;
	[dreg:$0x7] =	wrdreg s22  }
0x11: {  	s26 =	simm.s32 $0x8400;
	s20 =	sadd.s32 $0x30, s8;
	[dreg:$0x8] =	wrdreg s23  }
0x12: {  	s0 =	simm.s32 $0x1;
	s24 =	sadd.s32 $0x40, s8;
	[dreg:$0x5] =	wrdreg s20  }
0x13: {  	s25 =	sadd.s32 $0x50, s8;
	s22 =	simm.s32 $0x280;
	[dreg:$0x9] =	wrdreg s24  }
0x14: {  	s23 =	simm.s32 $0x5;
	s8 =	simm.s32 $0x3;
	[dreg:$0xa] =	wrdreg s25  }
0x15: {  	s20 =	simm.s32 $0x80;
	s24 =	simm.s32 $0x400;
	s25 =	simm.s32 $0x300  }
.LBB2_1:
0x16: {  	[dreg:$0xb] =	wrdreg s13  }
0x17: {  	s7 =	rddreg [dreg:$0x4]  }
0x18: {  	[tilespmem:s4], [sflag:$0x5] =	stream.linear.gather [hbm4b:s7+s4], $0x80, $0x38;
	[tilespmem:$0x18400] =	vst v63  }
0x19: {  	s16 =	rddreg [dreg:$0x7];
	s12 =	simm.s32 $0x100  }
0x1a: {  	[tilespmem:s12], [sflag:$0x5] =	stream.linear.gather [hbm4b:s16+s4], $0x80, $0x38;
	[tilespmem:$0x18400] =	vst v63  }
0x1b: {  	s13 =	simm.s32 $0x200;
	s12 =	rddreg [dreg:$0x8]  }
0x1c: {  	[tilespmem:s13], [sflag:$0x5] =	stream.linear.gather [hbm4b:s12+s4], $0x80, $0x38;
	[tilespmem:$0x18400] =	vst v63  }
0x1d: {  	s14 =	rddreg [dreg:$0x5]  }
0x1e: {  	[tilespmem:s20], [sflag:$0x6] =	stream.linear.gather [hbm4b:s14+s4], $0x80, $0x38;
	[tilespmem:$0x18400] =	vst v63  }
0x1f: {  	s15 =	rddreg [dreg:$0x9]  }
0x20: {  	[tilespmem:s21], [sflag:$0x6] =	stream.linear.gather [hbm4b:s15+s4], $0x80, $0x38;
	[tilespmem:$0x18400] =	vst v63  }
0x21: {  	s16 =	rddreg [dreg:$0xa]  }
0x22: {  	[tilespmem:s22], [sflag:$0x6] =	stream.linear.gather [hbm4b:s16+s4], $0x80, $0x38;
	[tilespmem:$0x18400] =	vst v63  }
0x23: {  	_ =	swait.ge [sflag:s23], $0x180  }
0x24: {  	[sflag:s23] =	ssyncset.done $0x0  }
0x25: {  	[sflag:s23] =	ssyncadd.s32 $0xFFFFFE80  }
0x26: {  	v0 =	vld [tilespmem:$0x200]  }
0x27: {  	v1 =	vld [tilespmem:$0x100]  }
0x28: {  	v2 =	vld [tilespmem:$0x210]  }
0x29: {  	v3 =	vld [tilespmem:$0x110]  }
0x2a: {  	v4 =	vld [tilespmem:$0x220]  }
0x2b: {  	v5 =	vld [tilespmem:$0x120]  }
0x2c: {  	v6 =	vld [tilespmem:$0x230]  }
0x2d: {  	v7 =	vld [tilespmem:$0x130]  }
0x2e: {  	v8 =	vld [tilespmem:$0x240]  }
0x2f: {  	v9 =	vld [tilespmem:$0x140]  }
0x30: {  	v10 =	vld [tilespmem:$0x250]  }
0x31: {  	v11 =	vld [tilespmem:$0x150]  }
0x32: {  	v12 =	vld [tilespmem:$0x260];
	v0 =	vshll.u32 v0, $0x4  }
0x33: {  	v48 =	vld [tilespmem:$0x160];
	v47 =	vshll.u32 v2, $0x4;
	v0 =	vadd.s32 v1, v0  }
0x34: {  	v51 =	vld [tilespmem:$0x270];
	v50 =	vshll.u32 v4, $0x4;
	v49 =	vadd.s32 v3, v47;
	[tilespmem:$0x300] =	vst v0  }
0x35: {  	v54 =	vld [tilespmem:$0x170];
	v53 =	vshll.u32 v6, $0x4;
	v52 =	vadd.s32 v5, v50;
	[tilespmem:$0x310] =	vst v49  }
0x36: {  	v56 =	vshll.u32 v8, $0x4;
	v55 =	vadd.s32 v7, v53;
	[tilespmem:$0x320] =	vst v52  }
0x37: {  	v58 =	vshll.u32 v10, $0x4;
	v57 =	vadd.s32 v9, v56;
	[tilespmem:$0x330] =	vst v55  }
0x38: {  	v60 =	vshll.u32 v12, $0x4;
	v59 =	vadd.s32 v11, v58;
	[tilespmem:$0x340] =	vst v57  }
0x39: {  	v62 =	vshll.u32 v51, $0x4;
	v61 =	vadd.s32 v48, v60;
	[tilespmem:$0x350] =	vst v59  }
0x3a: {  	v63 =	vadd.s32 v54, v62;
	[tilespmem:$0x360] =	vst v61  }
0x3b: {  	[tilespmem:$0x370] =	vst v63  }
0x3c: {  	[tilespmem:s24], [sflag:$0x1] =	stream.indirect.gather [hbm4b:s2+s20], $0x80, s4, s20, $0xb8;
	[tilespmem:$0x18400] =	vst v63  }
0x3d: {  	s14 =	simm.s32 $0x0  }
0x3e: {  	[tilespmem:s26], [sflag:$0x1] =	stream.indirect.gather [hbm4b:s6+s20], $0x80, s25, s20, $0xb8;
	[tilespmem:$0x18400] =	vst v63  }
.LBB2_2:
0x3f: {  	_ =	swait.ge [sflag:s28], $0x180  }
0x40: {  	[sflag:s28] =	ssyncset.done $0x0  }
0x41: {  	[sflag:s28] =	ssyncadd.s32 $0xFFFFFE80  }
0x42: {  	v0 =	vld [tilespmem:$0x280]  }
0x43: {  	v1 =	vld [tilespmem:$0x180]  }
0x44: {  	v2 =	vld [tilespmem:$0x290]  }
0x45: {  	v3 =	vld [tilespmem:$0x190]  }
0x46: {  	v4 =	vld [tilespmem:$0x2A0]  }
0x47: {  	v5 =	vld [tilespmem:$0x1A0]  }
0x48: {  	v6 =	vld [tilespmem:$0x2B0]  }
0x49: {  	v7 =	vld [tilespmem:$0x1B0]  }
0x4a: {  	v8 =	vld [tilespmem:$0x2C0]  }
0x4b: {  	v9 =	vld [tilespmem:$0x1C0]  }
0x4c: {  	v10 =	vld [tilespmem:$0x2D0]  }
0x4d: {  	v11 =	vld [tilespmem:$0x1D0]  }
0x4e: {  	v12 =	vld [tilespmem:$0x2E0];
	v0 =	vshll.u32 v0, $0x4  }
0x4f: {  	v48 =	vld [tilespmem:$0x1E0];
	v47 =	vshll.u32 v2, $0x4;
	v0 =	vadd.s32 v1, v0  }
0x50: {  	v51 =	vld [tilespmem:$0x2F0];
	v50 =	vshll.u32 v4, $0x4;
	v49 =	vadd.s32 v3, v47;
	[tilespmem:$0x380] =	vst v0  }
0x51: {  	v54 =	vld [tilespmem:$0x1F0];
	v53 =	vshll.u32 v6, $0x4;
	v52 =	vadd.s32 v5, v50;
	[tilespmem:$0x390] =	vst v49  }
0x52: {  	v56 =	vshll.u32 v8, $0x4;
	v55 =	vadd.s32 v7, v53;
	[tilespmem:$0x3A0] =	vst v52  }
0x53: {  	v58 =	vshll.u32 v10, $0x4;
	v57 =	vadd.s32 v9, v56;
	[tilespmem:$0x3B0] =	vst v55  }
0x54: {  	v60 =	vshll.u32 v12, $0x4;
	v59 =	vadd.s32 v11, v58;
	[tilespmem:$0x3C0] =	vst v57  }
0x55: {  	v62 =	vshll.u32 v51, $0x4;
	v61 =	vadd.s32 v48, v60;
	[tilespmem:$0x3D0] =	vst v59  }
0x56: {  	v63 =	vadd.s32 v54, v62;
	[tilespmem:$0x3E0] =	vst v61  }
0x57: {  	[tilespmem:$0x3F0] =	vst v63  }
0x58: {  	[tilespmem:s29], [sflag:$0x2] =	stream.indirect.gather [hbm4b:s2+s20], $0x80, s20, s20, $0xb8;
	[tilespmem:$0x18400] =	vst v63  }
0x59: {  	_ = 	snop  }
0x5a: {  	[tilespmem:s31], [sflag:$0x2] =	stream.indirect.gather [hbm4b:s6+s20], $0x80, s30, s20, $0xb8;
	[tilespmem:$0x18400] =	vst v63  }
0x5b: {  	_ =	swait.ge [sflag:s0], $0x4000  }
0x5c: {  	s15 =	sshll.u32 s14, $0x1;
	p1 =	seq.s32 s14, $0x18;
	[sflag:s0] =	ssyncset.done $0x0  }
0x5d: {  	s7 =	sadd.s32 @!p1 s15, s10;
	[sflag:s0] =	ssyncadd.s32 $0xFFFFC000  }
0x5e: {  	s7 =	smul.u32 @!p1 $0x30, s7;
	_ =	swait.ge [sflag:s0], $0x4000  }
0x5f: {  	s12 =	simm.s32 @!p1 $0x0;
	p0 =	seq.s32 @!p1 s14, $0x0;
	[sflag:s0] =	ssyncset.done $0x0  }
0x60: {  	p0 =	por p1, !p0;
	s7 =	sadd.s32 @!p1 s5, s7;
	[sflag:s0] =	ssyncadd.s32 $0xFFFFC000  }
0x61: {  	[tilespmem:s12], [sflag:$0x5] =	stream.linear.gather @!p1 [hbm4b:s7+s12], $0x80, $0x38;
	[tilespmem:$0x18400] =	vst v63  }
.Ltmp0:
0x62: {  	_ = 	snop;
	(pc) =	sbr.rel @!p0 .LBB2_3-.Ltmp0, $4  }
0x63: {  	s13 =	simm.s32 @!p1 $0x100;
	s16 =	sadd.s32 @!p1 $0x10, s7  }
0x64: {  	[tilespmem:s13], [sflag:$0x5] =	stream.linear.gather @!p1 [hbm4b:s16+s12], $0x80, $0x38;
	[tilespmem:$0x18400] =	vst v63  }
0x65: {  	s7 =	sadd.s32 @!p1 $0x20, s7;
	s13 =	simm.s32 @!p1 $0x200  }
0x66: {  	[tilespmem:s13], [sflag:$0x5] =	stream.linear.gather @!p1 [hbm4b:s7+s12], $0x80, $0x38;
	[tilespmem:$0x18400] =	vst v63  }
.Ltmp1:
0x67: {  	(pc) =	sbr.rel .LBB2_5-.Ltmp1, $4  }
0x68: {  	_ = 	snop  }
0x69: {  	_ =	swait.ge [sflag:s8], $0x4000  }
0x6a: {  	[sflag:s8] =	ssyncset.done $0x0  }
0x6b: {  	p0 =	por $0x0, $0x0;
	[sflag:s8] =	ssyncadd.s32 $0xFFFFC000  }
.LBB2_3:
0x6c: {  	p0 =	por @!p1 $0x1, $0x1  }
.LBB2_5:
0x6d: {  	s16 =	simm.s32 $0x0  }
0x6e: {  	v0 =	vld [tilespmem:s16+$0x470]  }
0x6f: {  	v1 =	vld [tilespmem:s16+$0x8470]  }
0x70: {  	v2 =	vld [tilespmem:s16+$0x400]  }
0x71: {  	v3 =	vld [tilespmem:s16+$0x8400]  }
0x72: {  	v4 =	vld [tilespmem:s16+$0x410]  }
0x73: {  	v5 =	vld [tilespmem:s16+$0x8410]  }
0x74: {  	v6 =	vld [tilespmem:s16+$0x420]  }
0x75: {  	v7 =	vld [tilespmem:s16+$0x430]  }
0x76: {  	v0 =	vadd.f32 v1, v0;
	v1 =	vld [tilespmem:s16+$0x8420]  }
0x77: {  	v2 =	vadd.f32 v3, v2;
	v3 =	vld [tilespmem:s16+$0x8430]  }
0x78: {  	v8 =	vld [tilespmem:s16+$0x8440]  }
0x79: {  	[tilespmem:s16+$0x10470] =	vst v0;
	v0 =	vadd.f32 v5, v4;
	v4 =	vld [tilespmem:s16+$0x440]  }
0x7a: {  	[tilespmem:s16+$0x10400] =	vst v2;
	v2 =	vld [tilespmem:s16+$0x8450]  }
0x7b: {  	[tilespmem:s16+$0x10410] =	vst v0;
	v0 =	vld [tilespmem:s16+$0x450];
	v1 =	vadd.f32 v1, v6  }
0x7c: {  	v6 =	vadd.f32 v3, v7;
	v3 =	vld [tilespmem:s16+$0x8460]  }
0x7d: {  	s7 =	simm.s32 $0x80;
	[tilespmem:s16+$0x10420] =	vst v1;
	v1 =	vld [tilespmem:s16+$0x460]  }
0x7e: {  	s12 =	simm.s32 $0x400;
	v5 =	vld [tilespmem:s7+$0x470];
	[tilespmem:s16+$0x10430] =	vst v6;
	v4 =	vadd.f32 v8, v4  }
.LBB2_6:
0x7f: {  	p2 =	sne.s32 s12, $0xFE00;
	v6 =	vld [tilespmem:s7+$0x8470]  }
0x80: {  	v7 =	vld [tilespmem:s7+$0x400];
	[tilespmem:s16+$0x10440] =	vst v4;
	v0 =	vadd.f32 v2, v0  }
0x81: {  	v2 =	vld [tilespmem:s7+$0x8400]  }
0x82: {  	v4 =	vld [tilespmem:s7+$0x410];
	[tilespmem:s16+$0x10450] =	vst v0;
	v0 =	vadd.f32 v3, v1  }
0x83: {  	v1 =	vld [tilespmem:s7+$0x8410]  }
0x84: {  	v3 =	vld [tilespmem:s7+$0x420];
	v5 =	vadd.f32 v6, v5;
	[tilespmem:s16+$0x10460] =	vst v0;
	s16 =	smov.u32 s7  }
0x85: {  	v0 =	vld [tilespmem:s16+$0x8420]  }
0x86: {  	v2 =	vadd.f32 v2, v7;
	v6 =	vld [tilespmem:s16+$0x430];
	[tilespmem:s16+$0x10470] =	vst v5  }
0x87: {  	v5 =	vld [tilespmem:s16+$0x8430]  }
0x88: {  	[tilespmem:s16+$0x10400] =	vst v2;
	v1 =	vadd.f32 v1, v4;
	v4 =	vld [tilespmem:s16+$0x440]  }
0x89: {  	v7 =	vld [tilespmem:s16+$0x8440]  }
.Ltmp2:
0x8a: {  	[tilespmem:s16+$0x10410] =	vst v1;
	v1 =	vadd.f32 v0, v3;
	v0 =	vld [tilespmem:s16+$0x450];
	(pc) =	sbr.rel @p2 .LBB2_6-.Ltmp2, $4  }
0x8b: {  	v2 =	vld [tilespmem:s16+$0x8450]  }
0x8c: {  	[tilespmem:s16+$0x10420] =	vst v1;
	v6 =	vadd.f32 v5, v6;
	v1 =	vld [tilespmem:s16+$0x460]  }
0x8d: {  	s7 =	sshra.s32 s12, $0x2;
	v3 =	vld [tilespmem:s16+$0x8460]  }
0x8e: {  	s12 =	sadd.s32 $0x200, s12;
	v5 =	vld [tilespmem:s7+$0x470];
	[tilespmem:s16+$0x10430] =	vst v6;
	v4 =	vadd.f32 v7, v4  }
0x8f: {  	v6 =	vld [tilespmem:s7+$0x8470]  }
0x90: {  	v7 =	vld [tilespmem:s7+$0x400]  }
0x91: {  	v8 =	vld [tilespmem:s7+$0x8400]  }
0x92: {  	v9 =	vld [tilespmem:s7+$0x410]  }
0x93: {  	v10 =	vld [tilespmem:s7+$0x8410]  }
0x94: {  	v11 =	vld [tilespmem:s7+$0x420]  }
0x95: {  	v51 =	vld [tilespmem:s7+$0x8420]  }
0x96: {  	v12 =	vld [tilespmem:s7+$0x430]  }
0x97: {  	v52 =	vld [tilespmem:s7+$0x8430]  }
0x98: {  	v54 =	vld [tilespmem:s7+$0x440]  }
0x99: {  	v55 =	vld [tilespmem:s7+$0x8440];
	v0 =	vadd.f32 v2, v0  }
0x9a: {  	v56 =	vld [tilespmem:s7+$0x450];
	[tilespmem:s16+$0x10440] =	vst v4;
	v1 =	vadd.f32 v3, v1  }
0x9b: {  	v57 =	vld [tilespmem:s7+$0x8450];
	[tilespmem:s16+$0x10450] =	vst v0;
	v5 =	vadd.f32 v6, v5  }
0x9c: {  	v58 =	vld [tilespmem:s7+$0x460];
	v7 =	vadd.f32 v8, v7;
	[tilespmem:s16+$0x10460] =	vst v1  }
0x9d: {  	v59 =	vld [tilespmem:s7+$0x8460];
	v53 =	vadd.f32 v10, v9;
	[tilespmem:s7+$0x10470] =	vst v5  }
0x9e: {  	v6 =	vadd.f32 v51, v11;
	[tilespmem:s7+$0x10400] =	vst v7  }
0x9f: {  	v60 =	vadd.f32 v52, v12;
	[tilespmem:s7+$0x10410] =	vst v53  }
0xa0: {  	v61 =	vadd.f32 v55, v54;
	[tilespmem:s7+$0x10420] =	vst v6  }
.Ltmp3:
0xa1: {  	s12 =	sshll.u32 s14, $0xF;
	v62 =	vadd.f32 v57, v56;
	[tilespmem:s7+$0x10430] =	vst v60;
	(pc) =	sbr.rel @!p1 .LBB2_8-.Ltmp3, $4  }
0xa2: {  	s12 =	sadd.s32 s9, s12;
	v63 =	vadd.f32 v59, v58;
	[tilespmem:s7+$0x10440] =	vst v61  }
0xa3: {  	s12 =	sshrl.u32 s12, $0x3;
	[tilespmem:s7+$0x10450] =	vst v62  }
0xa4: {  	s16 =	sadd.s32 s3, s12;
	[tilespmem:s7+$0x10460] =	vst v63  }
0xa5: {  	[hbm4b:s16+s4] =	stream.linear.scatter [tilespmem:s1], [sflag:$0x3], $0x4000, $0x38;
	[tilespmem:$0x18400] =	vst v63  }
0xa6: {  	_ =	swait.ge [sflag:s18], $0x4000  }
.Ltmp4:
0xa7: {  	[sflag:s18] =	ssyncset.done $0x0;
	(pc) =	sbr.rel .LBB2_10-.Ltmp4, $4  }
0xa8: {  	[sflag:s18] =	ssyncadd.s32 $0xFFFFC000  }
0xa9: {  	_ =	swait.ge [sflag:s18], $0x4000  }
0xaa: {  	[sflag:s18] =	ssyncset.done $0x0  }
0xab: {  	[sflag:s18] =	ssyncadd.s32 $0xFFFFC000  }
.LBB2_8:
0xac: {  	_ =	swait.ge [sflag:s23], $0x180  }
0xad: {  	[sflag:s23] =	ssyncset.done $0x0  }
0xae: {  	[sflag:s23] =	ssyncadd.s32 $0xFFFFFE80  }
0xaf: {  	v0 =	vld [tilespmem:$0x200]  }
0xb0: {  	v1 =	vld [tilespmem:$0x100]  }
0xb1: {  	v2 =	vld [tilespmem:$0x210]  }
0xb2: {  	v3 =	vld [tilespmem:$0x110]  }
0xb3: {  	v4 =	vld [tilespmem:$0x220]  }
0xb4: {  	v5 =	vld [tilespmem:$0x120]  }
0xb5: {  	v6 =	vld [tilespmem:$0x230]  }
0xb6: {  	v7 =	vld [tilespmem:$0x130]  }
0xb7: {  	v8 =	vld [tilespmem:$0x240]  }
0xb8: {  	v9 =	vld [tilespmem:$0x140]  }
0xb9: {  	v10 =	vld [tilespmem:$0x250]  }
0xba: {  	v11 =	vld [tilespmem:$0x150]  }
0xbb: {  	v12 =	vld [tilespmem:$0x260];
	v0 =	vshll.u32 v0, $0x4  }
0xbc: {  	v48 =	vld [tilespmem:$0x160];
	v47 =	vshll.u32 v2, $0x4;
	v0 =	vadd.s32 v1, v0  }
0xbd: {  	v51 =	vld [tilespmem:$0x270];
	v50 =	vshll.u32 v4, $0x4;
	v49 =	vadd.s32 v3, v47;
	[tilespmem:$0x300] =	vst v0  }
0xbe: {  	v54 =	vld [tilespmem:$0x170];
	v53 =	vshll.u32 v6, $0x4;
	v52 =	vadd.s32 v5, v50;
	[tilespmem:$0x310] =	vst v49  }
0xbf: {  	v56 =	vshll.u32 v8, $0x4;
	v55 =	vadd.s32 v7, v53;
	[tilespmem:$0x320] =	vst v52  }
0xc0: {  	v58 =	vshll.u32 v10, $0x4;
	v57 =	vadd.s32 v9, v56;
	[tilespmem:$0x330] =	vst v55  }
0xc1: {  	v60 =	vshll.u32 v12, $0x4;
	v59 =	vadd.s32 v11, v58;
	[tilespmem:$0x340] =	vst v57  }
0xc2: {  	v62 =	vshll.u32 v51, $0x4;
	v61 =	vadd.s32 v48, v60;
	[tilespmem:$0x350] =	vst v59  }
0xc3: {  	v63 =	vadd.s32 v54, v62;
	[tilespmem:$0x360] =	vst v61  }
0xc4: {  	[tilespmem:$0x370] =	vst v63  }
0xc5: {  	[tilespmem:s24], [sflag:$0x1] =	stream.indirect.gather [hbm4b:s2+s20], $0x80, s4, s20, $0xb8;
	[tilespmem:$0x18400] =	vst v63  }
0xc6: {  	_ = 	snop  }
0xc7: {  	[tilespmem:s26], [sflag:$0x1] =	stream.indirect.gather [hbm4b:s6+s20], $0x80, s25, s20, $0xb8;
	[tilespmem:$0x18400] =	vst v63  }
0xc8: {  	_ =	swait.ge [sflag:s18], $0x4000  }
0xc9: {  	[sflag:s18] =	ssyncset.done $0x0  }
0xca: {  	s7 =	sadd.s32 s15, s11;
	[sflag:s18] =	ssyncadd.s32 $0xFFFFC000  }
0xcb: {  	s7 =	smul.u32 $0x30, s7;
	_ =	swait.ge [sflag:s18], $0x4000  }
0xcc: {  	[sflag:s18] =	ssyncset.done $0x0  }
0xcd: {  	s7 =	sadd.s32 s5, s7;
	[sflag:s18] =	ssyncadd.s32 $0xFFFFC000  }
0xce: {  	[tilespmem:s20], [sflag:$0x6] =	stream.linear.gather [hbm4b:s7+s4], $0x80, $0x38;
	[tilespmem:$0x18400] =	vst v63  }
0xcf: {  	s12 =	sadd.s32 $0x10, s7  }
0xd0: {  	[tilespmem:s21], [sflag:$0x6] =	stream.linear.gather [hbm4b:s12+s4], $0x80, $0x38;
	[tilespmem:$0x18400] =	vst v63  }
0xd1: {  	s7 =	sadd.s32 $0x20, s7  }
0xd2: {  	[tilespmem:s22], [sflag:$0x6] =	stream.linear.gather [hbm4b:s7+s4], $0x80, $0x38;
	[tilespmem:$0x18400] =	vst v63  }
.LBB2_10:
0xd3: {  	s7 =	simm.s32 @!p0 $0x4  }
0xd4: {  	_ =	swait.ge @!p0 [sflag:s7], $0x4000  }
0xd5: {  	[sflag:s7] =	ssyncset.done @!p0 $0x0  }
0xd6: {  	s15 =	simm.s32 $0x0;
	[sflag:s7] =	ssyncadd.s32 @!p0 $0xFFFFC000  }
0xd7: {  	v0 =	vld [tilespmem:s15+$0x4470]  }
0xd8: {  	v1 =	vld [tilespmem:s15+$0xC470]  }
0xd9: {  	v2 =	vld [tilespmem:s15+$0x4400]  }
0xda: {  	v3 =	vld [tilespmem:s15+$0xC400]  }
0xdb: {  	v4 =	vld [tilespmem:s15+$0x4410]  }
0xdc: {  	v5 =	vld [tilespmem:s15+$0xC410]  }
0xdd: {  	v6 =	vld [tilespmem:s15+$0x4420]  }
0xde: {  	v7 =	vld [tilespmem:s15+$0x4430]  }
0xdf: {  	v0 =	vadd.f32 v1, v0;
	v1 =	vld [tilespmem:s15+$0xC420]  }
0xe0: {  	v2 =	vadd.f32 v3, v2;
	v3 =	vld [tilespmem:s15+$0xC430]  }
0xe1: {  	v8 =	vld [tilespmem:s15+$0xC440]  }
0xe2: {  	[tilespmem:s15+$0x14470] =	vst v0;
	v0 =	vadd.f32 v5, v4;
	v4 =	vld [tilespmem:s15+$0x4440]  }
0xe3: {  	[tilespmem:s15+$0x14400] =	vst v2;
	v2 =	vld [tilespmem:s15+$0xC450]  }
0xe4: {  	[tilespmem:s15+$0x14410] =	vst v0;
	v0 =	vld [tilespmem:s15+$0x4450];
	v1 =	vadd.f32 v1, v6  }
0xe5: {  	v6 =	vadd.f32 v3, v7;
	v3 =	vld [tilespmem:s15+$0xC460]  }
0xe6: {  	s7 =	simm.s32 $0x80;
	[tilespmem:s15+$0x14420] =	vst v1;
	v1 =	vld [tilespmem:s15+$0x4460]  }
0xe7: {  	s12 =	simm.s32 $0x400;
	v5 =	vld [tilespmem:s7+$0x4470];
	[tilespmem:s15+$0x14430] =	vst v6;
	v4 =	vadd.f32 v8, v4  }
.LBB2_11:
0xe8: {  	p0 =	sne.s32 s12, $0xFE00;
	v6 =	vld [tilespmem:s7+$0xC470]  }
0xe9: {  	v7 =	vld [tilespmem:s7+$0x4400];
	[tilespmem:s15+$0x14440] =	vst v4;
	v0 =	vadd.f32 v2, v0  }
0xea: {  	v2 =	vld [tilespmem:s7+$0xC400]  }
0xeb: {  	v4 =	vld [tilespmem:s7+$0x4410];
	[tilespmem:s15+$0x14450] =	vst v0;
	v0 =	vadd.f32 v3, v1  }
0xec: {  	v1 =	vld [tilespmem:s7+$0xC410]  }
0xed: {  	v3 =	vld [tilespmem:s7+$0x4420];
	v5 =	vadd.f32 v6, v5;
	[tilespmem:s15+$0x14460] =	vst v0;
	s15 =	smov.u32 s7  }
0xee: {  	v0 =	vld [tilespmem:s15+$0xC420]  }
0xef: {  	v2 =	vadd.f32 v2, v7;
	v6 =	vld [tilespmem:s15+$0x4430];
	[tilespmem:s15+$0x14470] =	vst v5  }
0xf0: {  	v5 =	vld [tilespmem:s15+$0xC430]  }
0xf1: {  	[tilespmem:s15+$0x14400] =	vst v2;
	v1 =	vadd.f32 v1, v4;
	v4 =	vld [tilespmem:s15+$0x4440]  }
0xf2: {  	v7 =	vld [tilespmem:s15+$0xC440]  }
.Ltmp5:
0xf3: {  	[tilespmem:s15+$0x14410] =	vst v1;
	v1 =	vadd.f32 v0, v3;
	v0 =	vld [tilespmem:s15+$0x4450];
	(pc) =	sbr.rel @p0 .LBB2_11-.Ltmp5, $4  }
0xf4: {  	v2 =	vld [tilespmem:s15+$0xC450]  }
0xf5: {  	[tilespmem:s15+$0x14420] =	vst v1;
	v6 =	vadd.f32 v5, v6;
	v1 =	vld [tilespmem:s15+$0x4460]  }
0xf6: {  	s7 =	sshra.s32 s12, $0x2;
	v3 =	vld [tilespmem:s15+$0xC460]  }
0xf7: {  	s12 =	sadd.s32 $0x200, s12;
	v5 =	vld [tilespmem:s7+$0x4470];
	[tilespmem:s15+$0x14430] =	vst v6;
	v4 =	vadd.f32 v7, v4  }
0xf8: {  	v6 =	vld [tilespmem:s7+$0xC470]  }
0xf9: {  	v7 =	vld [tilespmem:s7+$0x4400]  }
0xfa: {  	v8 =	vld [tilespmem:s7+$0xC400]  }
0xfb: {  	v9 =	vld [tilespmem:s7+$0x4410]  }
0xfc: {  	v10 =	vld [tilespmem:s7+$0xC410]  }
0xfd: {  	v11 =	vld [tilespmem:s7+$0x4420]  }
0xfe: {  	v51 =	vld [tilespmem:s7+$0xC420]  }
0xff: {  	v12 =	vld [tilespmem:s7+$0x4430]  }
0x100: {  	v52 =	vld [tilespmem:s7+$0xC430]  }
0x101: {  	v54 =	vld [tilespmem:s7+$0x4440]  }
0x102: {  	v55 =	vld [tilespmem:s7+$0xC440];
	v0 =	vadd.f32 v2, v0  }
0x103: {  	v56 =	vld [tilespmem:s7+$0x4450];
	[tilespmem:s15+$0x14440] =	vst v4;
	v1 =	vadd.f32 v3, v1  }
0x104: {  	v57 =	vld [tilespmem:s7+$0xC450];
	[tilespmem:s15+$0x14450] =	vst v0;
	v5 =	vadd.f32 v6, v5  }
0x105: {  	v58 =	vld [tilespmem:s7+$0x4460];
	v7 =	vadd.f32 v8, v7;
	[tilespmem:s15+$0x14460] =	vst v1  }
0x106: {  	v59 =	vld [tilespmem:s7+$0xC460];
	v53 =	vadd.f32 v10, v9;
	[tilespmem:s7+$0x14470] =	vst v5  }
0x107: {  	v6 =	vadd.f32 v51, v11;
	[tilespmem:s7+$0x14400] =	vst v7  }
0x108: {  	s12 =	sshll.u32 s14, $0xC;
	s14 =	sadd.s32 $0x1, s14;
	v60 =	vadd.f32 v52, v12;
	[tilespmem:s7+$0x14410] =	vst v53  }
0x109: {  	p0 =	sne.s32 s14, $0x19;
	v61 =	vadd.f32 v55, v54;
	[tilespmem:s7+$0x14420] =	vst v6  }
.Ltmp6:
0x10a: {  	v62 =	vadd.f32 v57, v56;
	[tilespmem:s7+$0x14430] =	vst v60;
	(pc) =	sbr.rel @p0 .LBB2_2-.Ltmp6, $4  }
0x10b: {  	v63 =	vadd.f32 v59, v58;
	[tilespmem:s7+$0x14440] =	vst v61  }
0x10c: {  	[tilespmem:s7+$0x14450] =	vst v62  }
0x10d: {  	s16 =	sadd.s32 s17, s12;
	[tilespmem:s7+$0x14460] =	vst v63  }
0x10e: {  	[hbm4b:s16+s4] =	stream.linear.scatter [tilespmem:s19], [sflag:$0x4], $0x4000, $0x38;
	[tilespmem:$0x18400] =	vst v63  }
0x10f: {  	_ =	swait.ge [sflag:s8], $0x4000  }
0x110: {  	[sflag:s8] =	ssyncset.done $0x0  }
0x111: {  	s12 =	simm.s32 $0x4;
	[sflag:s8] =	ssyncadd.s32 $0xFFFFC000  }
0x112: {  	_ =	swait.ge [sflag:s12], $0x4000  }
0x113: {  	s13 =	rddreg [dreg:$0xb]  }
0x114: {  	s7 =	rddreg [dreg:$0x6];
	s13 =	sadd.s32 $0x1, s13  }
0x115: {  	p0 =	sne.s32 s13, s7  }
.Ltmp7:
0x116: {  	_ = 	snop;
	(pc) =	sbr.rel @p0 .LBB2_1-.Ltmp7, $3  }
0x117: {  	_ =	sdelay $0x1  }
0x118: {  	[sflag:s12] =	ssyncset.done $0x0  }
0x119: {  	[sflag:s12] =	ssyncadd.s32 $0xFFFFC000  }
0x11a: {  	_ =	sfence.sel $0x180000  }
0x11b: {  	[bflag:$0x0] =	sbarrier.arrive $0xFFFF  }
0x11c: {  	_ =	strace $0x90000047  }
0x11d: {  	s0 =	stileid.u32;
	[bflag:$0x2] =	sbarrier.arrive $0xFFFF  }
0x11e: {  	p0 =	sne.s32 s0, $0x0;
	s0 =	rddreg [dreg:$0x3]  }
0x11f: {  	s0 =	sadd.s32 @!p0 $0x100000, s0  }
0x120: {  	[sflag:s0] =	ssyncadd.tile.s32 @!p0 $0x1;
	_ =	shalt  }
.Lfunc_end2:
_tile_overlayer_lowered:
.L_overlay_start_2:
0x121: {  	(tag) =	ssettag $0x2  }
0x122: {  	s0 =	rddreg [dreg:$0x0];
	s2 =	stileid.u32  }
0x123: {  	s1 =	rddreg [dreg:$0x1];
	p0 =	sne.s32 s2, $0x0  }
0x124: {  	s3 =	rddreg [dreg:$0x2];
	[bflag:$0x3] =	sbarrier.arrive $0xFFFF;
	s2 =	simm.s32 @!p0 $0x1C07  }
0x125: {  	[timem:s3], [sflag:s2] =	dma.local @!p0 [hbm:s0], s1  }
0x126: {  	s0 =	simm.s32 @!p0 $0x7  }
0x127: {  	_ =	swait.ge @!p0 [sflag:s0], s1  }
0x128: {  	s1 =	ssub.s32 @!p0 $0x0, s1;
	[sflag:s0] =	ssyncset.done @!p0 $0x0  }
0x129: {  	[sflag:s0] =	ssyncadd.s32 @!p0 s1  }
0x12a: {  	[bflag:$0x3] =	sbarrier.arrive $0xFFFF  }
0x12b: {  	_ =	shalt  }

</sc_bundles>
